<compile_context>
chip_gen: v7x
topology: tpu7x:2x2x1
jax: 0.10.2.dev20260603
libtpu: 0.0.44.dev20260713+nightly
codegen_flags: <defaults>
</compile_context>

<pallas_src>
import jax
import jax.numpy as jnp
from jax import lax
from jax.experimental import pallas as pl
from jax.experimental.pallas import tpu as pltpu
from jax.experimental.pallas import tpu_sc as plsc

B, C, H, W = 64, 768, 32, 32
HW = H * W
HALF = C // 2

NC, NS, L = 2, 16, 16
NW = NC * NS
CPW = C // NW
ROW_W = HALF // CPW
CHUNKS = CPW * HW // L


def _in_copy(fm_hbm, buf, sem, b, c0):
    return pltpu.make_async_copy(
        fm_hbm.at[pl.ds(b * C + c0, CPW)], buf, sem
    )


def _out_copy(out_hbm, buf, sem, b, c0):
    return pltpu.make_async_copy(
        buf, out_hbm.at[pl.ds(b * C + c0, CPW)], sem
    )


def _sc_body(emb_hbm, fm_hbm, out_hbm, pos, in0, in1, out0, out1, embv,
             s_in0, s_in1, s_out0, s_out1):
    wid = lax.axis_index("s") * NC + lax.axis_index("c")
    c0 = wid * CPW
    isr = (wid < ROW_W).astype(jnp.int32)

    pltpu.sync_copy(emb_hbm.at[pl.ds(c0 * H, CPW * H)], embv)

    lane = lax.iota(jnp.int32, L)

    @plsc.parallel_loop(0, CHUNKS, unroll=4)
    def _pos_step(t):
        j = t >> 6
        q = t & 63
        idx_row = jnp.full((L,), j * H + (q >> 1), dtype=jnp.int32)
        idx_col = j * H + ((q & 1) << 4) + lane
        idx = isr * idx_row + (1 - isr) * idx_col
        pos[j, pl.ds((q & 63) * L, L)] = plsc.load_gather(embv, [idx])

    def _add(dst, src):
        @plsc.parallel_loop(0, CHUNKS, unroll=8)
        def _step(t):
            j = t >> 6
            o = (t & 63) * L
            dst[j, pl.ds(o, L)] = src[j, pl.ds(o, L)] + pos[j, pl.ds(o, L)]

    _in_copy(fm_hbm, in0, s_in0, 0, c0).start()
    _in_copy(fm_hbm, in1, s_in1, 1, c0).start()

    def _pair(t, _):
        b0 = 2 * t
        b1 = b0 + 1

        _in_copy(fm_hbm, in0, s_in0, b0, c0).wait()

        @pl.when(t > 0)
        def _():
            _out_copy(out_hbm, out0, s_out0, b0 - 2, c0).wait()

        _add(out0, in0)
        _out_copy(out_hbm, out0, s_out0, b0, c0).start()

        @pl.when(b0 + 2 < B)
        def _():
            _in_copy(fm_hbm, in0, s_in0, b0 + 2, c0).start()

        _in_copy(fm_hbm, in1, s_in1, b1, c0).wait()

        @pl.when(t > 0)
        def _():
            _out_copy(out_hbm, out1, s_out1, b1 - 2, c0).wait()

        _add(out1, in1)
        _out_copy(out_hbm, out1, s_out1, b1, c0).start()

        @pl.when(b1 + 2 < B)
        def _():
            _in_copy(fm_hbm, in1, s_in1, b1 + 2, c0).start()

        return ()

    lax.fori_loop(0, B // 2, _pair, ())

    _out_copy(out_hbm, out0, s_out0, B - 2, c0).wait()
    _out_copy(out_hbm, out1, s_out1, B - 1, c0).wait()


def kernel(feature_map, row_embed, col_embed):
    emb = jnp.concatenate([row_embed.T, col_embed.T], axis=0).reshape(-1)
    fm2 = feature_map.reshape(B * C, HW)

    mesh = plsc.VectorSubcoreMesh(
        core_axis_name="c", subcore_axis_name="s", num_cores=NC, num_subcores=NS
    )
    run = pl.kernel(
        _sc_body,
        out_type=jax.ShapeDtypeStruct((B * C, HW), jnp.float32),
        mesh=mesh,
        compiler_params=pltpu.CompilerParams(
            needs_layout_passes=False, use_tc_tiling_on_sc=True
        ),
        scratch_types=[
            pltpu.VMEM((CPW, HW), jnp.float32),
            pltpu.VMEM((CPW, HW), jnp.float32),
            pltpu.VMEM((CPW, HW), jnp.float32),
            pltpu.VMEM((CPW, HW), jnp.float32),
            pltpu.VMEM((CPW, HW), jnp.float32),
            pltpu.VMEM((CPW * H,), jnp.float32),
            pltpu.SemaphoreType.DMA,
            pltpu.SemaphoreType.DMA,
            pltpu.SemaphoreType.DMA,
            pltpu.SemaphoreType.DMA,
        ],
    )
    out = run(emb, fm2)
    return out.reshape(B, C, H, W)

# --- scband reference (transcript-rebuilt; emitter-appended) ---
"""Pipeline reference for scband-position-encoder-38774964749007 (READ-ONLY COPY).

The authoritative reference and input builder live on the scoring server;
editing this copy changes nothing except your own understanding.
"""

import jax, jax.numpy as jnp
import numpy as np

HEIGHT = 32
WIDTH = 32
NUM_POS_FEATS = 768

def setup_inputs(seed: int = 0) -> dict:
    key = jax.random.key(seed)
    k1, k2, k3 = jax.random.split(key, 3)
    feature_map = jax.random.normal(k1, (64, NUM_POS_FEATS, HEIGHT, WIDTH), dtype=jnp.float32)
    # nn.init.uniform_(weight, -0.1, 0.1)
    row_embed = jax.random.uniform(k2, (HEIGHT, NUM_POS_FEATS // 2), dtype=jnp.float32, minval=-0.1, maxval=0.1)
    col_embed = jax.random.uniform(k3, (WIDTH, NUM_POS_FEATS // 2), dtype=jnp.float32, minval=-0.1, maxval=0.1)
    return {"feature_map": feature_map, "row_embed": row_embed, "col_embed": col_embed}

def reference(feature_map, row_embed, col_embed):
    batch_size, channels, height, width = feature_map.shape
    row_indices = jnp.arange(height)
    col_indices = jnp.arange(width)
    # embedding lookup -> gather
    row_embedding = jnp.take(row_embed, row_indices, axis=0)      # (H, F/2)
    col_embedding = jnp.take(col_embed, col_indices, axis=0)      # (W, F/2)
    row_embedding = jnp.broadcast_to(row_embedding[:, None, :], (height, width, row_embedding.shape[-1]))
    col_embedding = jnp.broadcast_to(col_embedding[None, :, :], (height, width, col_embedding.shape[-1]))
    pos_embedding = jnp.concatenate([row_embedding, col_embedding], axis=-1)  # (H, W, F)
    pos_embedding = jnp.transpose(pos_embedding, (2, 0, 1))[None, :, :, :]    # (1, F, H, W)
    pos_embedding = jnp.broadcast_to(pos_embedding, (batch_size, channels, height, width))
    return feature_map + pos_embedding

if __name__ == "__main__":
    import jax
    _d = setup_inputs()
    print(jax.jit(kernel)(*tuple(_d.values())))

</pallas_src>

<mosaic_0001>
#map = affine_map<(d0, d1) -> (0)>
#map1 = affine_map<(d0, d1) -> (0, 0)>
module attributes {stable_mosaic.version = 14 : i64} {
  func.func @_sc_body(%arg0: i32, %arg1: i32, %arg2: memref<24576xf32, #tpu.memory_space<hbm>>, %arg3: memref<49152x1024xf32, #tpu.memory_space<hbm>>, %arg4: memref<49152x1024xf32, #tpu.memory_space<hbm>>, %arg5: memref<24x1024xf32, #tpu.memory_space<vmem>>, %arg6: memref<24x1024xf32, #tpu.memory_space<vmem>>, %arg7: memref<24x1024xf32, #tpu.memory_space<vmem>>, %arg8: memref<24x1024xf32, #tpu.memory_space<vmem>>, %arg9: memref<24x1024xf32, #tpu.memory_space<vmem>>, %arg10: memref<768xf32, #tpu.memory_space<vmem>>, %arg11: memref<!tpu.dma_semaphore, #tpu.memory_space<semaphore_mem>>, %arg12: memref<!tpu.dma_semaphore, #tpu.memory_space<semaphore_mem>>, %arg13: memref<!tpu.dma_semaphore, #tpu.memory_space<semaphore_mem>>, %arg14: memref<!tpu.dma_semaphore, #tpu.memory_space<semaphore_mem>>) attributes {dimension_semantics = [#tpu.dimension_semantics<core_parallel>, #tpu.dimension_semantics<subcore_parallel>], iteration_bounds = array<i64: 2, 16>, scalar_prefetch = 0 : i64, scratch_operands = 10 : i64, tpu.core_type = #tpu.core_type<sc_vector_subcore>, window_params = [{transform_indices = #map}, {transform_indices = #map1}, {transform_indices = #map1}]} {
    %mul3A = arith.constant 2 : i32
    %mul3A_0 = arith.muli %arg1, %mul3A : i32
    %add3A = arith.addi %mul3A_0, %arg0 : i32
    %mul3A_1 = arith.constant 24 : i32
    %mul3A_2 = arith.muli %add3A, %mul3A_1 : i32
    %lt3A = arith.constant 16 : i32
    %lt3A_3 = arith.cmpi slt, %add3A, %lt3A : i32
    %convert_element_type3A = arith.extui %lt3A_3 : i1 to i32
    %mul3A_4 = arith.constant 32 : i32
    %mul3A_5 = arith.muli %mul3A_2, %mul3A_4 : i32
    "tpu.region"() ({
      %run_scoped3A = tpu.sem_alloc : memref<!tpu.dma_semaphore, #tpu.memory_space<semaphore_mem>>
      %dma_start3A_34 = tpu.memref_slice %arg2[%mul3A_5] : memref<24576xf32, #tpu.memory_space<hbm>> -> memref<768xf32, #tpu.memory_space<hbm>>
      %dma_start3A_35 = tpu.memref_slice %arg2[%mul3A_5] : memref<24576xf32, #tpu.memory_space<hbm>> -> memref<768xf32, #tpu.memory_space<hbm>>
      tpu.enqueue_dma source(%dma_start3A_35 : memref<768xf32, #tpu.memory_space<hbm>>) target(%arg10 : memref<768xf32, #tpu.memory_space<vmem>>) target_semaphore(%run_scoped3A : memref<!tpu.dma_semaphore, #tpu.memory_space<semaphore_mem>>)
      %dma_wait3A_36 = tpu.memref_slice %arg2[%mul3A_5] : memref<24576xf32, #tpu.memory_space<hbm>> -> memref<768xf32, #tpu.memory_space<hbm>>
      %dma_wait3A_37 = tpu.memref_slice %arg2[%mul3A_5] : memref<24576xf32, #tpu.memory_space<hbm>> -> memref<768xf32, #tpu.memory_space<hbm>>
      tpu.wait_dma2 semaphore(%run_scoped3A : memref<!tpu.dma_semaphore, #tpu.memory_space<semaphore_mem>>) src(%dma_wait3A_37 : memref<768xf32, #tpu.memory_space<hbm>>) dst(%arg10 : memref<768xf32, #tpu.memory_space<vmem>>)
      tpu.yield
    }) : () -> ()
    %iota3A = tpu.iota {dimensions = array<i32: 0>} : vector<16xi32>
    %parallel_loop3A = arith.constant 0 : i32
    %parallel_loop3A_6 = arith.constant 1536 : i32
    %parallel_loop3A_7 = arith.constant 1 : i32
    scf.for %parallel_loop3A_34 = %parallel_loop3A to %parallel_loop3A_6 step %parallel_loop3A_7  : i32 {
      %parallel_loop3A_35 = arith.constant 6 : i32
      %parallel_loop3A_36 = arith.shrsi %parallel_loop3A_34, %parallel_loop3A_35 : i32
      %parallel_loop3A_37 = arith.constant 63 : i32
      %parallel_loop3A_38 = arith.andi %parallel_loop3A_34, %parallel_loop3A_37 : i32
      %parallel_loop3A_39 = arith.constant 32 : i32
      %parallel_loop3A_40 = arith.muli %parallel_loop3A_36, %parallel_loop3A_39 : i32
      %parallel_loop3A_41 = arith.constant 1 : i32
      %parallel_loop3A_42 = arith.shrsi %parallel_loop3A_38, %parallel_loop3A_41 : i32
      %parallel_loop3A_43 = arith.addi %parallel_loop3A_40, %parallel_loop3A_42 : i32
      %parallel_loop3A_44 = vector.broadcast %parallel_loop3A_43 : i32 to vector<16xi32>
      %parallel_loop3A_45 = arith.constant 32 : i32
      %parallel_loop3A_46 = arith.muli %parallel_loop3A_36, %parallel_loop3A_45 : i32
      %parallel_loop3A_47 = arith.constant 1 : i32
      %parallel_loop3A_48 = arith.andi %parallel_loop3A_38, %parallel_loop3A_47 : i32
      %parallel_loop3A_49 = arith.constant 4 : i32
      %parallel_loop3A_50 = arith.shli %parallel_loop3A_48, %parallel_loop3A_49 : i32
      %parallel_loop3A_51 = arith.addi %parallel_loop3A_46, %parallel_loop3A_50 : i32
      %parallel_loop3A_52 = vector.broadcast %parallel_loop3A_51 : i32 to vector<16xi32>
      %parallel_loop3A_53 = arith.addi %parallel_loop3A_52, %iota3A : vector<16xi32>
      %parallel_loop3A_54 = vector.broadcast %convert_element_type3A : i32 to vector<16xi32>
      %parallel_loop3A_55 = arith.muli %parallel_loop3A_54, %parallel_loop3A_44 : vector<16xi32>
      %parallel_loop3A_56 = arith.constant 1 : i32
      %parallel_loop3A_57 = arith.subi %parallel_loop3A_56, %convert_element_type3A : i32
      %parallel_loop3A_58 = vector.broadcast %parallel_loop3A_57 : i32 to vector<16xi32>
      %parallel_loop3A_59 = arith.muli %parallel_loop3A_58, %parallel_loop3A_53 : vector<16xi32>
      %parallel_loop3A_60 = arith.addi %parallel_loop3A_55, %parallel_loop3A_59 : vector<16xi32>
      %parallel_loop3A_61 = tpu.vector_load_idx %arg10[%parallel_loop3A_60] : memref<768xf32, #tpu.memory_space<vmem>>[vector<16xi32>], vector<16xf32>,
      %parallel_loop3A_62 = arith.constant 63 : i32
      %parallel_loop3A_63 = arith.andi %parallel_loop3A_38, %parallel_loop3A_62 : i32
      %parallel_loop3A_64 = arith.constant 16 : i32
      %parallel_loop3A_65 = arith.muli %parallel_loop3A_63, %parallel_loop3A_64 : i32
      %parallel_loop3A_66 = arith.index_cast %parallel_loop3A_36 : i32 to index
      %parallel_loop3A_67 = arith.index_cast %parallel_loop3A_65 : i32 to index
      %parallel_loop3A_68 = tpu.vector_load %arg5[%parallel_loop3A_66, %parallel_loop3A_67] {strides = array<i32>} : memref<24x1024xf32, #tpu.memory_space<vmem>>, vector<16xf32>,
      tpu.vector_store %arg5[%parallel_loop3A_66, %parallel_loop3A_67], %parallel_loop3A_61 {strides = array<i32>} : memref<24x1024xf32, #tpu.memory_space<vmem>>, vector<16xf32>,
    } {sc.loop_unroll_factor = 4 : i64, sc.parallel_access}
    %add3A_8 = arith.constant 0 : i32
    %add3A_9 = arith.addi %add3A_8, %mul3A_2 : i32
    %dma_start3A = arith.constant 0 : i32
    %dma_start3A_10 = tpu.memref_slice %arg3[%add3A_9, %dma_start3A] : memref<49152x1024xf32, #tpu.memory_space<hbm>> -> memref<24x1024xf32, #tpu.memory_space<hbm>>
    %dma_start3A_11 = arith.constant 0 : i32
    %dma_start3A_12 = tpu.memref_slice %arg3[%add3A_9, %dma_start3A_11] : memref<49152x1024xf32, #tpu.memory_space<hbm>> -> memref<24x1024xf32, #tpu.memory_space<hbm>>
    tpu.enqueue_dma source(%dma_start3A_12 : memref<24x1024xf32, #tpu.memory_space<hbm>>) target(%arg6 : memref<24x1024xf32, #tpu.memory_space<vmem>>) target_semaphore(%arg11 : memref<!tpu.dma_semaphore, #tpu.memory_space<semaphore_mem>>)
    %add3A_13 = arith.constant 768 : i32
    %add3A_14 = arith.addi %add3A_13, %mul3A_2 : i32
    %dma_start3A_15 = arith.constant 0 : i32
    %dma_start3A_16 = tpu.memref_slice %arg3[%add3A_14, %dma_start3A_15] : memref<49152x1024xf32, #tpu.memory_space<hbm>> -> memref<24x1024xf32, #tpu.memory_space<hbm>>
    %dma_start3A_17 = arith.constant 0 : i32
    %dma_start3A_18 = tpu.memref_slice %arg3[%add3A_14, %dma_start3A_17] : memref<49152x1024xf32, #tpu.memory_space<hbm>> -> memref<24x1024xf32, #tpu.memory_space<hbm>>
    tpu.enqueue_dma source(%dma_start3A_18 : memref<24x1024xf32, #tpu.memory_space<hbm>>) target(%arg7 : memref<24x1024xf32, #tpu.memory_space<vmem>>) target_semaphore(%arg12 : memref<!tpu.dma_semaphore, #tpu.memory_space<semaphore_mem>>)
    %scan3A = arith.constant 0 : i32
    %scan3A_19 = arith.constant 32 : i32
    %scan3A_20 = arith.addi %scan3A, %scan3A_19 : i32
    %scan3A_21 = arith.constant 1 : i32
    scf.for %scan3A_34 = %scan3A to %scan3A_20 step %scan3A_21  : i32 {
      %mul3A_35 = arith.constant 2 : i32
      %mul3A_36 = arith.muli %mul3A_35, %scan3A_34 : i32
      %add3A_37 = arith.constant 1 : i32
      %add3A_38 = arith.addi %mul3A_36, %add3A_37 : i32
      %mul3A_39 = arith.constant 768 : i32
      %mul3A_40 = arith.muli %mul3A_36, %mul3A_39 : i32
      %add3A_41 = arith.addi %mul3A_40, %mul3A_2 : i32
      %dma_wait3A_42 = arith.constant 0 : i32
      %dma_wait3A_43 = tpu.memref_slice %arg3[%add3A_41, %dma_wait3A_42] : memref<49152x1024xf32, #tpu.memory_space<hbm>> -> memref<24x1024xf32, #tpu.memory_space<hbm>>
      %dma_wait3A_44 = arith.constant 0 : i32
      %dma_wait3A_45 = tpu.memref_slice %arg3[%add3A_41, %dma_wait3A_44] : memref<49152x1024xf32, #tpu.memory_space<hbm>> -> memref<24x1024xf32, #tpu.memory_space<hbm>>
      tpu.wait_dma2 semaphore(%arg11 : memref<!tpu.dma_semaphore, #tpu.memory_space<semaphore_mem>>) src(%dma_wait3A_45 : memref<24x1024xf32, #tpu.memory_space<hbm>>) dst(%arg6 : memref<24x1024xf32, #tpu.memory_space<vmem>>)
      %gt3A = arith.constant 0 : i32
      %gt3A_46 = arith.cmpi sgt, %scan3A_34, %gt3A : i32
      %convert_element_type3A_47 = arith.extui %gt3A_46 : i1 to i32
      %cond3A = arith.constant 0 : i32
      %cond3A_48 = arith.cmpi ne, %convert_element_type3A_47, %cond3A : i32
      scf.if %cond3A_48 {
        %sub3A = arith.constant 2 : i32
        %sub3A_95 = arith.subi %mul3A_36, %sub3A : i32
        %mul3A_96 = arith.constant 768 : i32
        %mul3A_97 = arith.muli %sub3A_95, %mul3A_96 : i32
        %add3A_98 = arith.addi %mul3A_97, %mul3A_2 : i32
        %dma_wait3A_99 = arith.constant 0 : i32
        %dma_wait3A_100 = tpu.memref_slice %arg4[%add3A_98, %dma_wait3A_99] : memref<49152x1024xf32, #tpu.memory_space<hbm>> -> memref<24x1024xf32, #tpu.memory_space<hbm>>
        %dma_wait3A_101 = arith.constant 0 : i32
        %dma_wait3A_102 = tpu.memref_slice %arg4[%add3A_98, %dma_wait3A_101] : memref<49152x1024xf32, #tpu.memory_space<hbm>> -> memref<24x1024xf32, #tpu.memory_space<hbm>>
        tpu.wait_dma2 semaphore(%arg13 : memref<!tpu.dma_semaphore, #tpu.memory_space<semaphore_mem>>) src(%arg8 : memref<24x1024xf32, #tpu.memory_space<vmem>>) dst(%dma_wait3A_102 : memref<24x1024xf32, #tpu.memory_space<hbm>>)
      } else {
      }
      %parallel_loop3A_49 = arith.constant 0 : i32
      %parallel_loop3A_50 = arith.constant 1536 : i32
      %parallel_loop3A_51 = arith.constant 1 : i32
      scf.for %parallel_loop3A_95 = %parallel_loop3A_49 to %parallel_loop3A_50 step %parallel_loop3A_51  : i32 {
        %parallel_loop3A_96 = arith.constant 6 : i32
        %parallel_loop3A_97 = arith.shrsi %parallel_loop3A_95, %parallel_loop3A_96 : i32
        %parallel_loop3A_98 = arith.constant 63 : i32
        %parallel_loop3A_99 = arith.andi %parallel_loop3A_95, %parallel_loop3A_98 : i32
        %parallel_loop3A_100 = arith.constant 16 : i32
        %parallel_loop3A_101 = arith.muli %parallel_loop3A_99, %parallel_loop3A_100 : i32
        %parallel_loop3A_102 = arith.index_cast %parallel_loop3A_97 : i32 to index
        %parallel_loop3A_103 = arith.index_cast %parallel_loop3A_101 : i32 to index
        %parallel_loop3A_104 = tpu.vector_load %arg6[%parallel_loop3A_102, %parallel_loop3A_103] {strides = array<i32>} : memref<24x1024xf32, #tpu.memory_space<vmem>>, vector<16xf32>,
        %parallel_loop3A_105 = arith.index_cast %parallel_loop3A_97 : i32 to index
        %parallel_loop3A_106 = arith.index_cast %parallel_loop3A_101 : i32 to index
        %parallel_loop3A_107 = tpu.vector_load %arg5[%parallel_loop3A_105, %parallel_loop3A_106] {strides = array<i32>} : memref<24x1024xf32, #tpu.memory_space<vmem>>, vector<16xf32>,
        %parallel_loop3A_108 = arith.addf %parallel_loop3A_104, %parallel_loop3A_107 : vector<16xf32>
        %parallel_loop3A_109 = arith.index_cast %parallel_loop3A_97 : i32 to index
        %parallel_loop3A_110 = arith.index_cast %parallel_loop3A_101 : i32 to index
        %parallel_loop3A_111 = tpu.vector_load %arg8[%parallel_loop3A_109, %parallel_loop3A_110] {strides = array<i32>} : memref<24x1024xf32, #tpu.memory_space<vmem>>, vector<16xf32>,
        tpu.vector_store %arg8[%parallel_loop3A_109, %parallel_loop3A_110], %parallel_loop3A_108 {strides = array<i32>} : memref<24x1024xf32, #tpu.memory_space<vmem>>, vector<16xf32>,
      } {sc.loop_unroll_factor = 8 : i64, sc.parallel_access}
      %mul3A_52 = arith.constant 768 : i32
      %mul3A_53 = arith.muli %mul3A_36, %mul3A_52 : i32
      %add3A_54 = arith.addi %mul3A_53, %mul3A_2 : i32
      %dma_start3A_55 = arith.constant 0 : i32
      %dma_start3A_56 = tpu.memref_slice %arg4[%add3A_54, %dma_start3A_55] : memref<49152x1024xf32, #tpu.memory_space<hbm>> -> memref<24x1024xf32, #tpu.memory_space<hbm>>
      %dma_start3A_57 = arith.constant 0 : i32
      %dma_start3A_58 = tpu.memref_slice %arg4[%add3A_54, %dma_start3A_57] : memref<49152x1024xf32, #tpu.memory_space<hbm>> -> memref<24x1024xf32, #tpu.memory_space<hbm>>
      tpu.enqueue_dma source(%arg8 : memref<24x1024xf32, #tpu.memory_space<vmem>>) target(%dma_start3A_58 : memref<24x1024xf32, #tpu.memory_space<hbm>>) target_semaphore(%arg13 : memref<!tpu.dma_semaphore, #tpu.memory_space<semaphore_mem>>)
      %add3A_59 = arith.constant 2 : i32
      %add3A_60 = arith.addi %mul3A_36, %add3A_59 : i32
      %lt3A_61 = arith.constant 64 : i32
      %lt3A_62 = arith.cmpi slt, %add3A_60, %lt3A_61 : i32
      %convert_element_type3A_63 = arith.extui %lt3A_62 : i1 to i32
      %cond3A_64 = arith.constant 0 : i32
      %cond3A_65 = arith.cmpi ne, %convert_element_type3A_63, %cond3A_64 : i32
      scf.if %cond3A_65 {
        %add3A_95 = arith.constant 2 : i32
        %add3A_96 = arith.addi %mul3A_36, %add3A_95 : i32
        %mul3A_97 = arith.constant 768 : i32
        %mul3A_98 = arith.muli %add3A_96, %mul3A_97 : i32
        %add3A_99 = arith.addi %mul3A_98, %mul3A_2 : i32
        %dma_start3A_100 = arith.constant 0 : i32
        %dma_start3A_101 = tpu.memref_slice %arg3[%add3A_99, %dma_start3A_100] : memref<49152x1024xf32, #tpu.memory_space<hbm>> -> memref<24x1024xf32, #tpu.memory_space<hbm>>
        %dma_start3A_102 = arith.constant 0 : i32
        %dma_start3A_103 = tpu.memref_slice %arg3[%add3A_99, %dma_start3A_102] : memref<49152x1024xf32, #tpu.memory_space<hbm>> -> memref<24x1024xf32, #tpu.memory_space<hbm>>
        tpu.enqueue_dma source(%dma_start3A_103 : memref<24x1024xf32, #tpu.memory_space<hbm>>) target(%arg6 : memref<24x1024xf32, #tpu.memory_space<vmem>>) target_semaphore(%arg11 : memref<!tpu.dma_semaphore, #tpu.memory_space<semaphore_mem>>)
      } else {
      }
      %mul3A_66 = arith.constant 768 : i32
      %mul3A_67 = arith.muli %add3A_38, %mul3A_66 : i32
      %add3A_68 = arith.addi %mul3A_67, %mul3A_2 : i32
      %dma_wait3A_69 = arith.constant 0 : i32
      %dma_wait3A_70 = tpu.memref_slice %arg3[%add3A_68, %dma_wait3A_69] : memref<49152x1024xf32, #tpu.memory_space<hbm>> -> memref<24x1024xf32, #tpu.memory_space<hbm>>
      %dma_wait3A_71 = arith.constant 0 : i32
      %dma_wait3A_72 = tpu.memref_slice %arg3[%add3A_68, %dma_wait3A_71] : memref<49152x1024xf32, #tpu.memory_space<hbm>> -> memref<24x1024xf32, #tpu.memory_space<hbm>>
      tpu.wait_dma2 semaphore(%arg12 : memref<!tpu.dma_semaphore, #tpu.memory_space<semaphore_mem>>) src(%dma_wait3A_72 : memref<24x1024xf32, #tpu.memory_space<hbm>>) dst(%arg7 : memref<24x1024xf32, #tpu.memory_space<vmem>>)
      %gt3A_73 = arith.constant 0 : i32
      %gt3A_74 = arith.cmpi sgt, %scan3A_34, %gt3A_73 : i32
      %convert_element_type3A_75 = arith.extui %gt3A_74 : i1 to i32
      %cond3A_76 = arith.constant 0 : i32
      %cond3A_77 = arith.cmpi ne, %convert_element_type3A_75, %cond3A_76 : i32
      scf.if %cond3A_77 {
        %sub3A = arith.constant 2 : i32
        %sub3A_95 = arith.subi %add3A_38, %sub3A : i32
        %mul3A_96 = arith.constant 768 : i32
        %mul3A_97 = arith.muli %sub3A_95, %mul3A_96 : i32
        %add3A_98 = arith.addi %mul3A_97, %mul3A_2 : i32
        %dma_wait3A_99 = arith.constant 0 : i32
        %dma_wait3A_100 = tpu.memref_slice %arg4[%add3A_98, %dma_wait3A_99] : memref<49152x1024xf32, #tpu.memory_space<hbm>> -> memref<24x1024xf32, #tpu.memory_space<hbm>>
        %dma_wait3A_101 = arith.constant 0 : i32
        %dma_wait3A_102 = tpu.memref_slice %arg4[%add3A_98, %dma_wait3A_101] : memref<49152x1024xf32, #tpu.memory_space<hbm>> -> memref<24x1024xf32, #tpu.memory_space<hbm>>
        tpu.wait_dma2 semaphore(%arg14 : memref<!tpu.dma_semaphore, #tpu.memory_space<semaphore_mem>>) src(%arg9 : memref<24x1024xf32, #tpu.memory_space<vmem>>) dst(%dma_wait3A_102 : memref<24x1024xf32, #tpu.memory_space<hbm>>)
      } else {
      }
      %parallel_loop3A_78 = arith.constant 0 : i32
      %parallel_loop3A_79 = arith.constant 1536 : i32
      %parallel_loop3A_80 = arith.constant 1 : i32
      scf.for %parallel_loop3A_95 = %parallel_loop3A_78 to %parallel_loop3A_79 step %parallel_loop3A_80  : i32 {
        %parallel_loop3A_96 = arith.constant 6 : i32
        %parallel_loop3A_97 = arith.shrsi %parallel_loop3A_95, %parallel_loop3A_96 : i32
        %parallel_loop3A_98 = arith.constant 63 : i32
        %parallel_loop3A_99 = arith.andi %parallel_loop3A_95, %parallel_loop3A_98 : i32
        %parallel_loop3A_100 = arith.constant 16 : i32
        %parallel_loop3A_101 = arith.muli %parallel_loop3A_99, %parallel_loop3A_100 : i32
        %parallel_loop3A_102 = arith.index_cast %parallel_loop3A_97 : i32 to index
        %parallel_loop3A_103 = arith.index_cast %parallel_loop3A_101 : i32 to index
        %parallel_loop3A_104 = tpu.vector_load %arg7[%parallel_loop3A_102, %parallel_loop3A_103] {strides = array<i32>} : memref<24x1024xf32, #tpu.memory_space<vmem>>, vector<16xf32>,
        %parallel_loop3A_105 = arith.index_cast %parallel_loop3A_97 : i32 to index
        %parallel_loop3A_106 = arith.index_cast %parallel_loop3A_101 : i32 to index
        %parallel_loop3A_107 = tpu.vector_load %arg5[%parallel_loop3A_105, %parallel_loop3A_106] {strides = array<i32>} : memref<24x1024xf32, #tpu.memory_space<vmem>>, vector<16xf32>,
        %parallel_loop3A_108 = arith.addf %parallel_loop3A_104, %parallel_loop3A_107 : vector<16xf32>
        %parallel_loop3A_109 = arith.index_cast %parallel_loop3A_97 : i32 to index
        %parallel_loop3A_110 = arith.index_cast %parallel_loop3A_101 : i32 to index
        %parallel_loop3A_111 = tpu.vector_load %arg9[%parallel_loop3A_109, %parallel_loop3A_110] {strides = array<i32>} : memref<24x1024xf32, #tpu.memory_space<vmem>>, vector<16xf32>,
        tpu.vector_store %arg9[%parallel_loop3A_109, %parallel_loop3A_110], %parallel_loop3A_108 {strides = array<i32>} : memref<24x1024xf32, #tpu.memory_space<vmem>>, vector<16xf32>,
      } {sc.loop_unroll_factor = 8 : i64, sc.parallel_access}
      %mul3A_81 = arith.constant 768 : i32
      %mul3A_82 = arith.muli %add3A_38, %mul3A_81 : i32
      %add3A_83 = arith.addi %mul3A_82, %mul3A_2 : i32
      %dma_start3A_84 = arith.constant 0 : i32
      %dma_start3A_85 = tpu.memref_slice %arg4[%add3A_83, %dma_start3A_84] : memref<49152x1024xf32, #tpu.memory_space<hbm>> -> memref<24x1024xf32, #tpu.memory_space<hbm>>
      %dma_start3A_86 = arith.constant 0 : i32
      %dma_start3A_87 = tpu.memref_slice %arg4[%add3A_83, %dma_start3A_86] : memref<49152x1024xf32, #tpu.memory_space<hbm>> -> memref<24x1024xf32, #tpu.memory_space<hbm>>
      tpu.enqueue_dma source(%arg9 : memref<24x1024xf32, #tpu.memory_space<vmem>>) target(%dma_start3A_87 : memref<24x1024xf32, #tpu.memory_space<hbm>>) target_semaphore(%arg14 : memref<!tpu.dma_semaphore, #tpu.memory_space<semaphore_mem>>)
      %add3A_88 = arith.constant 2 : i32
      %add3A_89 = arith.addi %add3A_38, %add3A_88 : i32
      %lt3A_90 = arith.constant 64 : i32
      %lt3A_91 = arith.cmpi slt, %add3A_89, %lt3A_90 : i32
      %convert_element_type3A_92 = arith.extui %lt3A_91 : i1 to i32
      %cond3A_93 = arith.constant 0 : i32
      %cond3A_94 = arith.cmpi ne, %convert_element_type3A_92, %cond3A_93 : i32
      scf.if %cond3A_94 {
        %add3A_95 = arith.constant 2 : i32
        %add3A_96 = arith.addi %add3A_38, %add3A_95 : i32
        %mul3A_97 = arith.constant 768 : i32
        %mul3A_98 = arith.muli %add3A_96, %mul3A_97 : i32
        %add3A_99 = arith.addi %mul3A_98, %mul3A_2 : i32
        %dma_start3A_100 = arith.constant 0 : i32
        %dma_start3A_101 = tpu.memref_slice %arg3[%add3A_99, %dma_start3A_100] : memref<49152x1024xf32, #tpu.memory_space<hbm>> -> memref<24x1024xf32, #tpu.memory_space<hbm>>
        %dma_start3A_102 = arith.constant 0 : i32
        %dma_start3A_103 = tpu.memref_slice %arg3[%add3A_99, %dma_start3A_102] : memref<49152x1024xf32, #tpu.memory_space<hbm>> -> memref<24x1024xf32, #tpu.memory_space<hbm>>
        tpu.enqueue_dma source(%dma_start3A_103 : memref<24x1024xf32, #tpu.memory_space<hbm>>) target(%arg7 : memref<24x1024xf32, #tpu.memory_space<vmem>>) target_semaphore(%arg12 : memref<!tpu.dma_semaphore, #tpu.memory_space<semaphore_mem>>)
      } else {
      }
    }
    %scan3A_22 = arith.constant 32 : i32
    %add3A_23 = arith.constant 47616 : i32
    %add3A_24 = arith.addi %add3A_23, %mul3A_2 : i32
    %dma_wait3A = arith.constant 0 : i32
    %dma_wait3A_25 = tpu.memref_slice %arg4[%add3A_24, %dma_wait3A] : memref<49152x1024xf32, #tpu.memory_space<hbm>> -> memref<24x1024xf32, #tpu.memory_space<hbm>>
    %dma_wait3A_26 = arith.constant 0 : i32
    %dma_wait3A_27 = tpu.memref_slice %arg4[%add3A_24, %dma_wait3A_26] : memref<49152x1024xf32, #tpu.memory_space<hbm>> -> memref<24x1024xf32, #tpu.memory_space<hbm>>
    tpu.wait_dma2 semaphore(%arg13 : memref<!tpu.dma_semaphore, #tpu.memory_space<semaphore_mem>>) src(%arg8 : memref<24x1024xf32, #tpu.memory_space<vmem>>) dst(%dma_wait3A_27 : memref<24x1024xf32, #tpu.memory_space<hbm>>)
    %add3A_28 = arith.constant 48384 : i32
    %add3A_29 = arith.addi %add3A_28, %mul3A_2 : i32
    %dma_wait3A_30 = arith.constant 0 : i32
    %dma_wait3A_31 = tpu.memref_slice %arg4[%add3A_29, %dma_wait3A_30] : memref<49152x1024xf32, #tpu.memory_space<hbm>> -> memref<24x1024xf32, #tpu.memory_space<hbm>>
    %dma_wait3A_32 = arith.constant 0 : i32
    %dma_wait3A_33 = tpu.memref_slice %arg4[%add3A_29, %dma_wait3A_32] : memref<49152x1024xf32, #tpu.memory_space<hbm>> -> memref<24x1024xf32, #tpu.memory_space<hbm>>
    tpu.wait_dma2 semaphore(%arg14 : memref<!tpu.dma_semaphore, #tpu.memory_space<semaphore_mem>>) src(%arg9 : memref<24x1024xf32, #tpu.memory_space<vmem>>) dst(%dma_wait3A_33 : memref<24x1024xf32, #tpu.memory_space<hbm>>)
    return
  }
}

</mosaic_0001>

<sc_bundles>
// kernel: kernel.3.cloned.1.call-start
scs
__scs_entry_jumppad:
0x0: {  	(pc) =	sbr.rel $0x88, $3  }
0x1: {  	(tag) =	ssettag $0x0;
	lr =	simm.s32 $0x1  }
0x2: {  	[smem:$0x3F9E] =	sst lr;
	_ =	strace $0xD0000000  }
0x3: {  	_ = 	snop  }
0x4: {  	_ = 	snop  }
0x5: {  	_ = 	snop  }
0x6: {  	_ = 	snop  }
0x7: {  	_ = 	snop  }
__scs_overlays_trampoline_lowered:
0x8: {  	[smem:$0x3FAD] =	sst s0  }
0x9: {  	[smem:$0x3FAE] =	sst s1  }
0xa: {  	[smem:$0x3FAF] =	sst s2  }
0xb: {  	[smem:$0x3FB0] =	sst s3  }
0xc: {  	[smem:$0x3FB1] =	sst s4  }
0xd: {  	[smem:$0x3FB2] =	sst s5  }
0xe: {  	[smem:$0x3FB3] =	sst s6  }
0xf: {  	[smem:$0x3FB4] =	sst s7  }
0x10: {  	[smem:$0x3FB5] =	sst s8  }
0x11: {  	[smem:$0x3FB6] =	sst s9;
	s0 =	simm.s32 @!p0 $0x0  }
0x12: {  	s1 =	sld [smem:$0x3F9C];
	s0 =	simm.s32 @p0 $0x1  }
0x13: {  	[smem:$0x3FB7] =	sst s0;
	s0 =	simm.s32 @!p1 $0x0  }
0x14: {  	s2 =	sld [smem:$0x3F9B];
	s0 =	simm.s32 @p1 $0x1  }
0x15: {  	[smem:$0x3FB8] =	sst s0;
	s0 =	simm.s32 @!p2 $0x0  }
0x16: {  	s3 =	sld [smem:$0x3FDB];
	s0 =	simm.s32 @p2 $0x1  }
0x17: {  	s4 =	simm.s32 $0x1BF5;
	[smem:$0x3FBA] =	sst s0  }
0x18: {  	s0 =	sld [smem:$0x3F9D];
	_ =	swait.ge [sflag:s4], $0x0  }
0x19: {  	s7 =	sld [smem:$0x3F9E]  }
0x1a: {  	s8 =	sadd.s32 $0xFFFFE003, lr  }
0x1b: {  	s9 =	sadd.s32 $0xFFFFFEF7, lr;
	s5 =	simm.s32 $0xFFFFFFFF;
	p2 =	slt.u32 s8, $0xFFFFF086  }
0x1c: {  	p1 =	slt.u32 s9, $0xF7A;
	s5 =	simm.s32 @!p2 $0x0  }
0x1d: {  	s5 =	simm.s32 @p1 $0x1;
	p0 =	seq.s32 s7, s2  }
0x1e: {  	s7 =	smul.u32 @!p0 $0xF7A, s2;
	p2 =	seq.s32 @!p0 s5, $0x0  }
0x1f: {  	s9 =	smul.u32 $0xF7A, s1;
	s8 =	simm.s32 @!p0 $0x1BF5;
	p2 =	por !p2, p0  }
0x20: {  	[sflag:s8] =	ssyncset.s32 @!p0 $0xFFFFF086;
	s6 =	sadd.s32 @!p0 s3, s7;
	s7 =	simm.s32 @!p0 $0x108  }
0x21: {  	s3 =	sadd.s32 s3, s9;
	s6 =	sadd.s32 @!p0 $0x88, s6;
	s7 =	simm.s32 @p2 $0x1082  }
0x22: {  	[simem:s7], [sflag:s8] =	dma.local @!p0 [hbm:s6], $0xF7A  }
0x23: {  	s9 =	sor.u32 $0xD0000000, s2;
	s6 =	simm.s32 $0x108;
	_ =	swait.ge @!p0 [sflag:s8], $0x0  }
0x24: {  	s3 =	sadd.s32 $0x88, s3;
	s6 =	simm.s32 @!p1 $0x1082;
	[sflag:s4] =	ssyncset.s32 $0xFFFFF086  }
0x25: {  	[simem:s6], [sflag:s4] =	dma.local [hbm:s3], $0xF7A  }
0x26: {  	[smem:$0x3F9E] =	sst s1;
	(tag) =	ssettag s2;
	_ =	strace s9  }
0x27: {  	s1 =	sld [smem:$0x3FAE]  }
0x28: {  	s2 =	sld [smem:$0x3FAF]  }
0x29: {  	s4 =	sld [smem:$0x3FB1]  }
0x2a: {  	p0 =	seq.s32 s5, $0x0;
	s5 =	sld [smem:$0x3FB2]  }
0x2b: {  	s6 =	sld [smem:$0x3FB3]  }
0x2c: {  	s7 =	sld [smem:$0x3FB4]  }
0x2d: {  	s3 =	simm.s32 $0x108;
	s8 =	sld [smem:$0x3FB5]  }
0x2e: {  	s3 =	simm.s32 @!p0 $0x1082;
	s9 =	sld [smem:$0x3FB6]  }
0x2f: {  	lr =	sadd.s32 s0, s3;
	s0 =	sld [smem:$0x3FAD]  }
0x30: {  	s3 =	sld [smem:$0x3FB0]  }
0x31: {  	[smem:$0x3FB9] =	sst s10  }
0x32: {  	s10 =	sld [smem:$0x3FB7];
	_ =	sdelay $0x3  }
0x33: {  	p0 =	seq.s32 s10, $0x1;
	s10 =	sld [smem:$0x3FB9];
	_ =	sdelay $0x3  }
0x34: {  	[smem:$0x3FB9] =	sst s10  }
0x35: {  	s10 =	sld [smem:$0x3FB8];
	_ =	sdelay $0x3  }
0x36: {  	p1 =	seq.s32 s10, $0x1;
	s10 =	sld [smem:$0x3FB9];
	_ =	sdelay $0x3  }
0x37: {  	[smem:$0x3FB9] =	sst s10  }
0x38: {  	s10 =	sld [smem:$0x3FBA]  }
0x39: {  	_ = 	snop;
	(pc) =	sbr.ind lr, $3  }
0x3a: {  	_ = 	snop  }
0x3b: {  	_ = 	snop  }
0x3c: {  	p2 =	seq.s32 s10, $0x1;
	s10 =	sld [smem:$0x3FB9]  }
0x3d: {  	_ =	shalt  }
0x3e: {  	_ =	shalt  }
0x3f: {  	_ =	shalt  }
0x40: {  	_ =	shalt  }
0x41: {  	_ =	shalt  }
0x42: {  	_ =	shalt  }
0x43: {  	_ =	shalt  }
0x44: {  	_ =	shalt  }
0x45: {  	_ =	shalt  }
0x46: {  	_ =	shalt  }
0x47: {  	_ =	shalt  }
0x48: {  	_ =	shalt  }
0x49: {  	_ =	shalt  }
0x4a: {  	_ =	shalt  }
0x4b: {  	_ =	shalt  }
0x4c: {  	_ =	shalt  }
0x4d: {  	_ =	shalt  }
0x4e: {  	_ =	shalt  }
0x4f: {  	_ =	shalt  }
0x50: {  	_ =	shalt  }
0x51: {  	_ =	shalt  }
0x52: {  	_ =	shalt  }
0x53: {  	_ =	shalt  }
0x54: {  	_ =	shalt  }
0x55: {  	_ =	shalt  }
0x56: {  	_ =	shalt  }
0x57: {  	_ =	shalt  }
0x58: {  	_ =	shalt  }
0x59: {  	_ =	shalt  }
0x5a: {  	_ =	shalt  }
0x5b: {  	_ =	shalt  }
0x5c: {  	_ =	shalt  }
0x5d: {  	_ =	shalt  }
0x5e: {  	_ =	shalt  }
0x5f: {  	_ =	shalt  }
0x60: {  	_ =	shalt  }
0x61: {  	_ =	shalt  }
0x62: {  	_ =	shalt  }
0x63: {  	_ =	shalt  }
0x64: {  	_ =	shalt  }
0x65: {  	_ =	shalt  }
0x66: {  	_ =	shalt  }
0x67: {  	_ =	shalt  }
0x68: {  	_ =	shalt  }
0x69: {  	_ =	shalt  }
0x6a: {  	_ =	shalt  }
0x6b: {  	_ =	shalt  }
0x6c: {  	_ =	shalt  }
0x6d: {  	_ =	shalt  }
0x6e: {  	_ =	shalt  }
0x6f: {  	_ =	shalt  }
0x70: {  	_ =	shalt  }
0x71: {  	_ =	shalt  }
0x72: {  	_ =	shalt  }
0x73: {  	_ =	shalt  }
0x74: {  	_ =	shalt  }
0x75: {  	_ =	shalt  }
0x76: {  	_ =	shalt  }
0x77: {  	_ =	shalt  }
0x78: {  	_ =	shalt  }
0x79: {  	_ =	shalt  }
0x7a: {  	_ =	shalt  }
0x7b: {  	_ =	shalt  }
0x7c: {  	_ =	shalt  }
0x7d: {  	_ =	shalt  }
0x7e: {  	_ =	shalt  }
0x7f: {  	_ =	shalt  }
0x80: {  	_ =	shalt  }
0x81: {  	_ =	shalt  }
0x82: {  	_ =	shalt  }
0x83: {  	_ =	shalt  }
0x84: {  	_ =	shalt  }
0x85: {  	_ =	shalt  }
0x86: {  	_ =	shalt  }
0x87: {  	_ =	shalt  }
.Lfunc_end0:
.L_simem_size_0:
called_computation.3_lowered:
.L_overlay_start_0:
0x88: {  	s2 =	sld [smem:$0x3FD9]  }
0x89: {  	s3 =	sld [smem:$0x3FFE];
	_ =	sdelay $0x1  }
0x8a: {  	s1 =	srdreg.scid  }
0x8b: {  	s0 =	sand.u32 $0x1, s1  }
0x8c: {  	s17 =	sshll.u32 s0, $0xA;
	s2 =	sadd.s32 s3, s2  }
0x8d: {  	s2 =	sadd.s32 s2, s17  }
0x8e: {  	[smem:$0x3FC5] =	sst s2  }
0x8f: {  	_ = 	snop  }
0x90: {  	s2 =	sld [smem:$0x3FD0];
	(tm) =	ssettm $0x1  }
0x91: {  	s18 =	sld [smem:$0x3FFB];
	_ =	sdelay $0x3  }
0x92: {  	_ =	strace s18  }
0x93: {  	s3 =	sld [smem:$0x3FFC];
	_ =	sdelay $0x3  }
0x94: {  	_ =	strace s3  }
0x95: {  	s3 =	sld [smem:$0x3FFD];
	_ =	sdelay $0x3  }
0x96: {  	_ =	strace s3  }
0x97: {  	_ =	strace $0x8FFFFFFF  }
0x98: {  	s19 =	sld [smem:$0x3FDB];
	_ =	sdelay $0x1  }
0x99: {  	s4 =	simm.s32 $_scs_section_size  }
0x9a: {  	s5 =	simm.s32 $_size__tile_overlayer_lowered;
	s6 =	simm.s32 $_tile_overlayer_lowered  }
0x9b: {  	s22 =	simm.s32 $0x1BFF;
	s21 =	sshll.u32 s6, $0x1;
	s3 =	sadd.s32 s4, s19  }
0x9c: {  	s7 =	simm.s32 $0x0;
	s20 =	sshll.u32 s5, $0x1;
	s5 =	sadd.s32 s21, s3  }
0x9d: {  	[timem:s7], [sflag:s22] =	dma.local [hbm:s5], s20  }
0x9e: {  	_ =	swait.ge [sflag:s22], s20  }
0x9f: {  	s4 =	ssub.s32 $0x0, s20;
	[sflag:s22] =	ssyncset.done $0x0  }
0xa0: {  	[sflag:s22] =	ssyncadd.s32 s4;
	_ =	sdelay $0x1  }
0xa1: {  	s23 =	simm.s32 $0x1B8B  }
0xa2: {  	_ =	swait.ge [sflag:s23], $0x1  }
0xa3: {  	[sflag:s23] =	ssyncset.done $0x0  }
0xa4: {  	s25 =	simm.s32 $0x1B8E;
	s24 =	sld [smem:$0x3FFE];
	[sflag:s23] =	ssyncadd.s32 $0xFFFFFFFF  }
0xa5: {  	s26 =	simm.s32 $execute0_lowered;
	[smem:$0x3FD2] =	sst s25  }
0xa6: {  	s5 =	sshll.u32 s26, $0x1;
	_ =	strace $0x80000049;
	[dreg:$0x1] =	wrdreg $0xFFFFFFFF  }
0xa7: {  	s28 =	simm.s32 $_size_execute0_lowered;
	s3 =	sadd.s32 s3, s5;
	[dreg:$0x0] =	wrdreg $0x0  }
0xa8: {  	s5 =	sshll.u32 s28, $0x1;
	[dreg:$0x2] =	wrdreg s3  }
0xa9: {  	[dreg:$0x3] =	wrdreg s5  }
0xaa: {  	[dreg:$0x4] =	wrdreg $0xC0  }
0xab: {  	_ =	task [dreg:s7], $0x5FFFF  }
0xac: {  	[dreg:$0x1] =	wrdreg $0xFFFFFFFF  }
0xad: {  	[dreg:$0x0] =	wrdreg $0x60  }
0xae: {  	[dreg:$0x2] =	wrdreg s24  }
0xaf: {  	[dreg:$0x3] =	wrdreg s2  }
0xb0: {  	[dreg:$0x4] =	wrdreg $0x9  }
0xb1: {  	_ =	task.clear_ibuf [dreg:s7], $0x5FFFF;
	_ =	strace $0x90000049  }
0xb2: {  	s29 =	simm.s32 $0x9;
	_ =	strace $0x8000004B  }
0xb3: {  	_ =	swait.ge [sflag:s29], $0x1  }
0xb4: {  	[sflag:s29] =	ssyncadd.s32 $0xFFFFFFFF  }
0xb5: {  	_ =	strace $0x9000004B  }
0xb6: {  	_ =	sfence  }
0xb7: {  	s30 =	sld [smem:$0x0];
	_ =	sdelay $0x2  }
0xb8: {  	s31 =	sshll.u32 s1, $0xD;
	s1 =	sshrl.u32 s1, $0x2  }
0xb9: {  	s3 =	sand.u32 $0x4000, s31;
	s1 =	sadd.s32 s1, s30  }
0xba: {  	s0 =	sor.u32 s3, s0;
	s1 =	sshll.u32 s1, $0x11  }
0xbb: {  	s0 =	sor.u32 s1, s0  }
0xbc: {  	s0 =	sadd.s32 $0x8F2B, s0  }
0xbd: {  	[sflag:s0] =	ssyncadd.remote.s32 $0x1  }
0xbe: {  	_ =	sfence.sel $0xFFFF  }
0xbf: {  	[dreg:$0x0] =	wrdreg $0xFFFFFFFF;
	(pc) =	sbr.abs _section_cstart, $3  }
0xc0: {  	[dreg:$0x1] =	wrdreg $0xFFFFFFFF  }
0xc1: {  	_ =	task.clear_ibuf [dreg:s7], $0x2FFFF;
	_ =	strace $0x9FFFFFFF  }
0xc2: {  	(tm) =	ssettm $0x7FFFFFFF  }
0xc3: {  	_ =	shalt  }
tec
execute0_lowered:
.L_overlay_start_1:
0x0: {  	(tag) =	ssettag $0x1  }
0x1: {  	s0 =	rddreg [dreg:$0x0];
	s1 =	srdreg.scid  }
0x2: {  	s6 =	stileid.u32;
	s2 =	rddreg [dreg:$0x1]  }
0x3: {  	s3 =	simm.s32 $0x0;
	s7 =	simm.s32 $0x1;
	s22 =	simm.s32 $0x1  }
0x4: {  	s15 =	simm.s32 $0x1E000;
	s18 =	simm.s32 $0xC000;
	s19 =	simm.s32 $0x12000  }
0x5: {  	s20 =	simm.s32 $0x2;
	s1 =	sand.u32 $0x1, s1;
	s4 =	sshll.u32 s6, $0x1  }
0x6: {  	s21 =	simm.s32 $0x18000;
	[smem:$0x7FF] =	sst s3;
	s8 =	sor.u32 s1, s4  }
0x7: {  	p0 =	sgt.u32 s6, $0x7;
	p1 =	slt.u32 s6, $0x8;
	s4 =	smul.u32 $0x60, s8  }
0x8: {  	s6 =	simm.s32 $0x1;
	_ =	strace $0x8000004A;
	s5 =	smul.u32 $0x18, s8  }
0x9: {  	s1 =	ssub.s32 $0x2, s1;
	s6 =	simm.s32 @!p1 $0x0;
	s29 =	smul.u32 $0x6000, s8  }
0xa: {  	s22 =	simm.s32 @!p0 $0x0;
	s28 =	sshrl.u32 s1, $0x1;
	s10 =	smul.u32 $0xC00, s8  }
0xb: {  	s8 =	simm.s32 $0x0;
	s9 =	sadd.s32 s4, s0;
	s4 =	sadd.s32 $0x1400, s0  }
.Ltmp0:
0xc: {  	s0 =	ssub.s32 s1, s28;
	s31 =	sadd.s32 s2, s10;
	(pc) =	sbr.rel .LBB2_1-.Ltmp0, $4  }
0xd: {  	s1 =	sshrl.u32 s29, $0x3;
	s30 =	sadd.s32 $0x601400, s9;
	[dreg:$0x4] =	wrdreg s31  }
0xe: {  	s1 =	sadd.s32 s2, s1;
	s0 =	smax.u32 s0, $0x1;
	[dreg:$0x3] =	wrdreg s30  }
0xf: {  	s11 =	sadd.s32 $0x600, s5;
	s1 =	sadd.s32 $0x18000, s1;
	[dreg:$0x6] =	wrdreg s0  }
0x10: {  	v1 =	vlaneseq.u32;
	v0 =	vmov s22;
	s12 =	sadd.s32 $0x300, s5;
	s13 =	sadd.s32 $0x900, s5;
	[dreg:$0x5] =	wrdreg s1  }
.LBB2_10:
0x11: {  	s0 =	simm.s32 $0x3  }
0x12: {  	_ =	swait.ge [sflag:s0], $0x6000  }
0x13: {  	[sflag:s0] =	ssyncset.done $0x0  }
0x14: {  	s1 =	simm.s32 $0x4;
	[sflag:s0] =	ssyncadd.s32 $0xFFFFA000  }
0x15: {  	_ =	swait.ge [sflag:s1], $0x6000  }
0x16: {  	s8 =	rddreg [dreg:$0x7]  }
0x17: {  	s31 =	rddreg [dreg:$0x6];
	s8 =	sadd.s32 $0x1, s8  }
0x18: {  	p0 =	sne.s32 s8, s31  }
.Ltmp1:
0x19: {  	_ = 	snop;
	(pc) =	sbr.rel @!p0 .LBB2_11-.Ltmp1, $3  }
0x1a: {  	_ =	sdelay $0x1  }
0x1b: {  	[sflag:s1] =	ssyncset.done $0x0  }
0x1c: {  	[sflag:s1] =	ssyncadd.s32 $0xFFFFA000  }
.LBB2_1:
0x1d: {  	[dreg:$0x7] =	wrdreg s8  }
0x1e: {  	s0 =	rddreg [dreg:$0x3];
	s16 =	simm.s32 $0x5  }
0x1f: {  	s25 =	simm.s32 $0x0;
	s17 =	simm.s32 $0x0;
	s26 =	simm.s32 $0x0  }
0x20: {  	s29 =	sand.u32 $0x1E, s3;
	s22 =	simm.s32 $0x0;
	s9 =	sand.u32 $0x1C00, s3  }
0x21: {  	[tilespmem:s15], [sflag:$0x5] =	stream.linear.gather [hbm4b:s0+s3], $0x300, $0x38;
	[tilespmem:$0x1E300] =	vst v63  }
0x22: {  	s1 =	sand.u32 $0x3C, s25;
	s0 =	sand.u32 $0x7FFFFFE0, s17;
	s8 =	sand.u32 $0x6000, s22  }
0x23: {  	s26 =	sand.u32 $0x380, s26;
	_ =	swait.ge [sflag:s16], $0x300;
	s28 =	sor.u32 $0x2, s1  }
0x24: {  	s30 =	sor.u32 $0x10, s0;
	s1 =	sor.u32 $0x3, s1;
	s31 =	sshrl.u32 s28, $0x1  }
0x25: {  	s29 =	sor.u32 s29, s0;
	v2 =	vor.u32 s0, v1;
	s8 =	sor.u32 s9, s8;
	s31 =	sor.u32 s0, s31  }
0x26: {  	[sflag:s16] =	ssyncset.done $0x0;
	s17 =	sshrl.u32 s1, $0x1;
	v3 =	vor.u32 s30, v1;
	v4 =	vmul.u32 v0, v2;
	s30 =	smul.u32 s6, s31  }
0x27: {  	s29 =	smul.u32 s6, s29;
	s23 =	sshll.u32 s28, $0x4;
	s0 =	sor.u32 s0, s17  }
0x28: {  	s28 =	simm.s32 $0x200;
	[sflag:s16] =	ssyncadd.s32 $0xFFFFFD00;
	v6 =	vmul.u32 v0, v3;
	s24 =	smul.u32 s6, s0;
	v5 =	vadd.s32 s30, v4  }
0x29: {  	s31 =	sor.u32 s26, s8;
	v2 =	vadd.s32 s29, v4;
	s26 =	sshll.u32 s1, $0x4;
	s1 =	sand.u32 $0x40, s3  }
0x2a: {  	s0 =	sand.u32 $0x60, s23;
	v3 =	vadd.s32 s29, v6;
	s29 =	simm.s32 $0x0;
	v4 =	vadd.s32 s24, v6;
	s30 =	simm.s32 $0x0  }
.LBB2_2:
0x2b: {  	s25 =	sadd.s32 $0x4, s25;
	s0 =	sor.u32 s0, s31  }
0x2c: {  	s29 =	sadd.s32 $0x2, s29;
	s8 =	smov.u32 s31;
	s24 =	sand.u32 $0x1C00, s28  }
0x2d: {  	s9 =	sshrl.u32 s25, $0x1;
	s17 =	sshll.u32 s25, $0x1;
	s31 =	sand.u32 $0x3C, s25;
	v5 =	vld.idx.msk [tilespmem:v5+s15+$0x0], $0xffff  }
0x2e: {  	s10 =	sand.u32 $0x1E, s29;
	s9 =	sand.u32 $0x7FFFFFE0, s9;
	s14 =	sor.u32 $0x2, s31;
	v6 =	vld.idx.msk [tilespmem:v2+s15+$0x0], $0xffff  }
0x2f: {  	s23 =	sor.u32 $0x3, s31;
	s16 =	sor.u32 $0x10, s9;
	s22 =	sshrl.u32 s14, $0x1  }
0x30: {  	s10 =	sor.u32 s10, s9;
	v7 =	vor.u32 s16, v1;
	s16 =	sor.u32 s9, s22;
	s22 =	sshrl.u32 s23, $0x1;
	v8 =	vld.idx.msk [tilespmem:v3+s15+$0x0], $0xffff  }
0x31: {  	p0 =	slt.u32 s25, $0x5FC;
	s31 =	sshll.u32 s25, $0x4;
	v2 =	vor.u32 s9, v1;
	s10 =	smul.u32 s6, s10;
	v9 =	vld.idx.msk [tilespmem:v4+s15+$0x0], $0xffff  }
0x32: {  	s17 =	sand.u32 $0x380, s17;
	s31 =	sand.u32 $0x6000, s31;
	v3 =	vmul.u32 v0, v2;
	s16 =	smul.u32 s6, s16  }
.Ltmp2:
0x33: {  	s1 =	sor.u32 s1, s8;
	s24 =	sor.u32 s24, s31;
	[tilespmem:s0+$0x0] =	vst v5;
	(pc) =	sbr.rel @p0 .LBB2_2-.Ltmp2, $4  }
0x34: {  	s31 =	sor.u32 s17, s24;
	v4 =	vmul.u32 v0, v7;
	s9 =	sor.u32 s9, s22;
	v2 =	vadd.s32 s10, v3;
	v5 =	vadd.s32 s16, v3;
	s0 =	sshll.u32 s14, $0x4;
	[tilespmem:s1+$0x0] =	vst v6  }
0x35: {  	s9 =	smul.u32 s6, s9;
	s14 =	sand.u32 $0x70, s26;
	s26 =	sshll.u32 s23, $0x4  }
0x36: {  	s30 =	sadd.s32 $0x40, s30;
	v3 =	vadd.s32 s10, v4;
	s8 =	sor.u32 s14, s8;
	[tilespmem:s1+$0x10] =	vst v8  }
0x37: {  	s28 =	sadd.s32 $0x200, s28;
	s0 =	sand.u32 $0x60, s0;
	v4 =	vadd.s32 s9, v4;
	s1 =	sand.u32 $0x40, s30;
	[tilespmem:s8+$0x0] =	vst v9  }
0x38: {  	_ =	sdelay $0x3  }
0x39: {  	v5 =	vld.idx.msk [tilespmem:v5+s15+$0x0], $0xffff  }
0x3a: {  	v2 =	vld.idx.msk [tilespmem:v2+s15+$0x0], $0xffff  }
0x3b: {  	v3 =	vld.idx.msk [tilespmem:v3+s15+$0x0], $0xffff  }
0x3c: {  	v4 =	vld.idx.msk [tilespmem:v4+s15+$0x0], $0xffff  }
0x3d: {  	s0 =	sor.u32 s0, s31  }
0x3e: {  	s1 =	sor.u32 s1, s31;
	[tilespmem:s0+$0x0] =	vst v5  }
0x3f: {  	s29 =	sand.u32 $0x70, s26;
	[tilespmem:s1+$0x0] =	vst v2  }
0x40: {  	[tilespmem:s1+$0x10] =	vst v3;
	s0 =	sor.u32 s29, s31  }
0x41: {  	[tilespmem:s0+$0x0] =	vst v4  }
0x42: {  	s25 =	simm.s32 $0x0;
	s30 =	simm.s32 $0x6000;
	s0 =	rddreg [dreg:$0x4]  }
0x43: {  	[tilespmem:s30], [sflag:$0x1] =	stream.linear.gather [hbm4b:s0+s25], $0x6000, $0x38;
	[tilespmem:$0x1E300] =	vst v63  }
0x44: {  	s26 =	simm.s32 $0x0;
	s31 =	rddreg [dreg:$0x5]  }
0x45: {  	[tilespmem:s18], [sflag:$0x2] =	stream.linear.gather [hbm4b:s31+s25], $0x6000, $0x38;
	[tilespmem:$0x1E300] =	vst v63  }
.LBB2_4:
0x46: {  	_ =	swait.ge [sflag:s7], $0x6000  }
0x47: {  	p0 =	seq.s32 s26, $0x0;
	s1 =	simm.s32 $0x0;
	[sflag:s7] =	ssyncset.done $0x0  }
0x48: {  	s8 =	sand.u32 $0x1C00, s25;
	s0 =	simm.s32 @!p0 $0x3;
	[sflag:s7] =	ssyncadd.s32 $0xFFFFA000  }
0x49: {  	s9 =	simm.s32 $0x0;
	s1 =	sand.u32 $0x6000, s1;
	_ =	swait.ge @!p0 [sflag:s0], $0x6000  }
0x4a: {  	s24 =	sand.u32 $0x380, s9;
	s1 =	sor.u32 s8, s1;
	[sflag:s0] =	ssyncset.done @!p0 $0x0  }
0x4b: {  	s29 =	sor.u32 s24, s1;
	[sflag:s0] =	ssyncadd.s32 @!p0 $0xFFFFA000  }
0x4c: {  	v2 =	vld [tilespmem:s29+$0x6070]  }
0x4d: {  	v4 =	vld [tilespmem:s29+$0x70]  }
0x4e: {  	v5 =	vld [tilespmem:s29+$0x6000]  }
0x4f: {  	v7 =	vld [tilespmem:s29+$0x0]  }
0x50: {  	v8 =	vld [tilespmem:s29+$0x6010]  }
0x51: {  	v9 =	vld [tilespmem:s29+$0x10]  }
0x52: {  	v3 =	vld [tilespmem:s29+$0x6020]  }
0x53: {  	v6 =	vld [tilespmem:s29+$0x20];
	v4 =	vadd.f32 v4, v2  }
0x54: {  	s28 =	smul.u32 $0x600, s26;
	v7 =	vadd.f32 v7, v5;
	v2 =	vld [tilespmem:s29+$0x6030]  }
0x55: {  	v5 =	vld [tilespmem:s29+$0x30];
	[tilespmem:s29+$0x12070] =	vst v4  }
0x56: {  	s31 =	simm.s32 $0x0;
	s30 =	sadd.s32 s5, s28;
	s1 =	simm.s32 $0x0;
	[tilespmem:s29+$0x12000] =	vst v7;
	v7 =	vadd.f32 v9, v8;
	v4 =	vld [tilespmem:s29+$0x6040]  }
.LBB2_5:
0x57: {  	s31 =	sadd.s32 $0x8, s31;
	v8 =	vld [tilespmem:s29+$0x40]  }
0x58: {  	s1 =	sadd.s32 $0x400, s1;
	s0 =	sshll.u32 s31, $0x4;
	p1 =	slt.u32 s31, $0x5F8;
	[tilespmem:s29+$0x12010] =	vst v7;
	v3 =	vadd.f32 v6, v3;
	v6 =	vld [tilespmem:s29+$0x6050]  }
0x59: {  	s8 =	sand.u32 $0x1C00, s1;
	s9 =	sshll.u32 s31, $0x1;
	s0 =	sand.u32 $0x6000, s0;
	v7 =	vld [tilespmem:s29+$0x50]  }
0x5a: {  	s0 =	sor.u32 s8, s0;
	s8 =	sand.u32 $0x380, s9;
	[tilespmem:s29+$0x12020] =	vst v3;
	v2 =	vadd.f32 v5, v2;
	v3 =	vld [tilespmem:s29+$0x6060]  }
0x5b: {  	s0 =	sor.u32 s8, s0;
	v5 =	vld [tilespmem:s29+$0x60]  }
0x5c: {  	v9 =	vld [tilespmem:s0+$0x6070];
	[tilespmem:s29+$0x12030] =	vst v2;
	v2 =	vadd.f32 v8, v4  }
0x5d: {  	v4 =	vld [tilespmem:s0+$0x70]  }
0x5e: {  	v8 =	vld [tilespmem:s0+$0x6000];
	[tilespmem:s29+$0x12040] =	vst v2;
	v2 =	vadd.f32 v7, v6  }
0x5f: {  	v7 =	vld [tilespmem:s0+$0x0]  }
0x60: {  	v10 =	vld [tilespmem:s0+$0x6010];
	[tilespmem:s29+$0x12050] =	vst v2;
	v2 =	vadd.f32 v5, v3  }
0x61: {  	v11 =	vld [tilespmem:s0+$0x10]  }
.Ltmp3:
0x62: {  	v3 =	vld [tilespmem:s0+$0x6020];
	v4 =	vadd.f32 v4, v9;
	[tilespmem:s29+$0x12060] =	vst v2;
	s29 =	smov.u32 s0;
	(pc) =	sbr.rel @p1 .LBB2_5-.Ltmp3, $4  }
0x63: {  	v6 =	vld [tilespmem:s29+$0x20]  }
0x64: {  	v7 =	vadd.f32 v7, v8;
	v2 =	vld [tilespmem:s29+$0x6030];
	[tilespmem:s29+$0x12070] =	vst v4  }
0x65: {  	v5 =	vld [tilespmem:s29+$0x30]  }
0x66: {  	[tilespmem:s29+$0x12000] =	vst v7;
	v7 =	vadd.f32 v11, v10;
	v4 =	vld [tilespmem:s29+$0x6040]  }
0x67: {  	v8 =	vld [tilespmem:s29+$0x40]  }
0x68: {  	v9 =	vld [tilespmem:s29+$0x6050]  }
0x69: {  	v10 =	vld [tilespmem:s29+$0x50]  }
0x6a: {  	v11 =	vld [tilespmem:s29+$0x6060]  }
0x6b: {  	v12 =	vld [tilespmem:s29+$0x60]  }
0x6c: {  	v3 =	vadd.f32 v6, v3  }
0x6d: {  	[tilespmem:s29+$0x12010] =	vst v7;
	v2 =	vadd.f32 v5, v2  }
0x6e: {  	[tilespmem:s29+$0x12020] =	vst v3;
	v3 =	vadd.f32 v8, v4  }
0x6f: {  	[tilespmem:s29+$0x12030] =	vst v2;
	v2 =	vadd.f32 v10, v9  }
0x70: {  	[tilespmem:s29+$0x12040] =	vst v3;
	v3 =	vadd.f32 v12, v11  }
0x71: {  	s0 =	sshll.u32 s30, $0x7;
	[tilespmem:s29+$0x12050] =	vst v2  }
0x72: {  	p1 =	seq.s32 s26, $0x1F;
	s0 =	sadd.s32 s4, s0;
	[tilespmem:s29+$0x12060] =	vst v3  }
0x73: {  	[hbm4b:s0+s3] =	stream.linear.scatter [tilespmem:s19], [sflag:$0x3], $0x6000, $0x38;
	[tilespmem:$0x1E300] =	vst v63  }
0x74: {  	s0 =	sadd.s32 @!p1 s28, s11  }
0x75: {  	s0 =	sshll.u32 @!p1 s0, $0x7  }
0x76: {  	s1 =	simm.s32 @!p1 $0x0;
	s8 =	simm.s32 @!p1 $0x6000;
	s0 =	sadd.s32 @!p1 s2, s0  }
0x77: {  	[tilespmem:s8], [sflag:$0x1] =	stream.linear.gather @!p1 [hbm4b:s0+s1], $0x6000, $0x38;
	[tilespmem:$0x1E300] =	vst v63  }
0x78: {  	_ =	swait.ge [sflag:s20], $0x6000  }
0x79: {  	s30 =	simm.s32 $0x0;
	s22 =	simm.s32 $0x0;
	[sflag:s20] =	ssyncset.done $0x0  }
0x7a: {  	s9 =	simm.s32 $0x0;
	s0 =	simm.s32 @!p0 $0x4;
	[sflag:s20] =	ssyncadd.s32 $0xFFFFA000  }
0x7b: {  	s23 =	sand.u32 $0x1C00, s30;
	s1 =	sand.u32 $0x6000, s22;
	_ =	swait.ge @!p0 [sflag:s0], $0x6000  }
0x7c: {  	s24 =	sand.u32 $0x380, s9;
	s1 =	sor.u32 s23, s1;
	[sflag:s0] =	ssyncset.done @!p0 $0x0  }
0x7d: {  	s29 =	sor.u32 s24, s1;
	[sflag:s0] =	ssyncadd.s32 @!p0 $0xFFFFA000  }
0x7e: {  	v2 =	vld [tilespmem:s29+$0xC070]  }
0x7f: {  	v4 =	vld [tilespmem:s29+$0x70]  }
0x80: {  	v5 =	vld [tilespmem:s29+$0xC000]  }
0x81: {  	v7 =	vld [tilespmem:s29+$0x0]  }
0x82: {  	v8 =	vld [tilespmem:s29+$0xC010]  }
0x83: {  	v63 =	vld [tilespmem:s29+$0x10]  }
0x84: {  	v3 =	vld [tilespmem:s29+$0xC020]  }
0x85: {  	v6 =	vld [tilespmem:s29+$0x20];
	v4 =	vadd.f32 v4, v2  }
0x86: {  	v7 =	vadd.f32 v7, v5;
	v2 =	vld [tilespmem:s29+$0xC030]  }
0x87: {  	v5 =	vld [tilespmem:s29+$0x30];
	[tilespmem:s29+$0x18070] =	vst v4  }
0x88: {  	s31 =	sadd.s32 s28, s12;
	s1 =	simm.s32 $0x0;
	[tilespmem:s29+$0x18000] =	vst v7;
	v7 =	vadd.f32 v63, v8;
	v4 =	vld [tilespmem:s29+$0xC040]  }
.LBB2_7:
0x89: {  	s1 =	sadd.s32 $0x8, s1;
	v8 =	vld [tilespmem:s29+$0x40]  }
0x8a: {  	s30 =	sadd.s32 $0x400, s30;
	s0 =	sshll.u32 s1, $0x4;
	p0 =	slt.u32 s1, $0x5F8;
	[tilespmem:s29+$0x18010] =	vst v7;
	v3 =	vadd.f32 v6, v3;
	v6 =	vld [tilespmem:s29+$0xC050]  }
0x8b: {  	s8 =	sand.u32 $0x1C00, s30;
	s9 =	sshll.u32 s1, $0x1;
	s0 =	sand.u32 $0x6000, s0;
	v7 =	vld [tilespmem:s29+$0x50]  }
0x8c: {  	s0 =	sor.u32 s8, s0;
	s8 =	sand.u32 $0x380, s9;
	[tilespmem:s29+$0x18020] =	vst v3;
	v2 =	vadd.f32 v5, v2;
	v3 =	vld [tilespmem:s29+$0xC060]  }
0x8d: {  	s0 =	sor.u32 s8, s0;
	v5 =	vld [tilespmem:s29+$0x60]  }
0x8e: {  	v9 =	vld [tilespmem:s0+$0xC070];
	[tilespmem:s29+$0x18030] =	vst v2;
	v2 =	vadd.f32 v8, v4  }
0x8f: {  	v4 =	vld [tilespmem:s0+$0x70]  }
0x90: {  	v8 =	vld [tilespmem:s0+$0xC000];
	[tilespmem:s29+$0x18040] =	vst v2;
	v2 =	vadd.f32 v7, v6  }
0x91: {  	v7 =	vld [tilespmem:s0+$0x0]  }
0x92: {  	v10 =	vld [tilespmem:s0+$0xC010];
	[tilespmem:s29+$0x18050] =	vst v2;
	v2 =	vadd.f32 v5, v3  }
0x93: {  	v11 =	vld [tilespmem:s0+$0x10]  }
.Ltmp4:
0x94: {  	v3 =	vld [tilespmem:s0+$0xC020];
	v4 =	vadd.f32 v4, v9;
	[tilespmem:s29+$0x18060] =	vst v2;
	s29 =	smov.u32 s0;
	(pc) =	sbr.rel @p0 .LBB2_7-.Ltmp4, $4  }
0x95: {  	v6 =	vld [tilespmem:s29+$0x20]  }
0x96: {  	v7 =	vadd.f32 v7, v8;
	v2 =	vld [tilespmem:s29+$0xC030];
	[tilespmem:s29+$0x18070] =	vst v4  }
0x97: {  	v5 =	vld [tilespmem:s29+$0x30]  }
0x98: {  	[tilespmem:s29+$0x18000] =	vst v7;
	v7 =	vadd.f32 v11, v10;
	v4 =	vld [tilespmem:s29+$0xC040]  }
0x99: {  	v8 =	vld [tilespmem:s29+$0x40]  }
0x9a: {  	v9 =	vld [tilespmem:s29+$0xC050]  }
0x9b: {  	v10 =	vld [tilespmem:s29+$0x50]  }
0x9c: {  	v11 =	vld [tilespmem:s29+$0xC060]  }
0x9d: {  	v12 =	vld [tilespmem:s29+$0x60]  }
0x9e: {  	v3 =	vadd.f32 v6, v3  }
0x9f: {  	[tilespmem:s29+$0x18010] =	vst v7;
	v2 =	vadd.f32 v5, v2  }
0xa0: {  	[tilespmem:s29+$0x18020] =	vst v3;
	v3 =	vadd.f32 v8, v4  }
.Ltmp5:
0xa1: {  	[tilespmem:s29+$0x18030] =	vst v2;
	v2 =	vadd.f32 v10, v9;
	(pc) =	sbr.rel @p1 .LBB2_10-.Ltmp5, $4  }
0xa2: {  	[tilespmem:s29+$0x18040] =	vst v3;
	v3 =	vadd.f32 v12, v11  }
0xa3: {  	s0 =	sshll.u32 s31, $0x7;
	[tilespmem:s29+$0x18050] =	vst v2  }
0xa4: {  	s0 =	sadd.s32 s4, s0;
	[tilespmem:s29+$0x18060] =	vst v3  }
0xa5: {  	[hbm4b:s0+s3] =	stream.linear.scatter [tilespmem:s21], [sflag:$0x4], $0x6000, $0x38;
	[tilespmem:$0x1E300] =	vst v63  }
.Ltmp6:
0xa6: {  	(pc) =	sbr.rel .LBB2_4-.Ltmp6, $4  }
0xa7: {  	s0 =	sadd.s32 s28, s13  }
0xa8: {  	s0 =	sshll.u32 s0, $0x7  }
0xa9: {  	s26 =	sadd.s32 $0x1, s26;
	s0 =	sadd.s32 s2, s0  }
0xaa: {  	[tilespmem:s18], [sflag:$0x2] =	stream.linear.gather [hbm4b:s0+s3], $0x6000, $0x38;
	[tilespmem:$0x1E300] =	vst v63  }
.LBB2_11:
0xab: {  	_ =	sfence.sel $0x180000  }
0xac: {  	[bflag:$0x0] =	sbarrier.arrive $0xFFFF  }
0xad: {  	_ =	strace $0x9000004A  }
0xae: {  	s0 =	stileid.u32;
	[bflag:$0x2] =	sbarrier.arrive $0xFFFF  }
0xaf: {  	p0 =	sne.s32 s0, $0x0;
	s0 =	rddreg [dreg:$0x2]  }
0xb0: {  	s0 =	sadd.s32 @!p0 $0x100000, s0  }
0xb1: {  	[sflag:s0] =	ssyncadd.tile.s32 @!p0 $0x1;
	_ =	shalt  }
.Lfunc_end2:
_tile_overlayer_lowered:
.L_overlay_start_2:
0xb2: {  	(tag) =	ssettag $0x2  }
0xb3: {  	s0 =	rddreg [dreg:$0x0];
	s2 =	stileid.u32  }
0xb4: {  	s1 =	rddreg [dreg:$0x1];
	p0 =	sne.s32 s2, $0x0  }
0xb5: {  	s3 =	rddreg [dreg:$0x2];
	[bflag:$0x3] =	sbarrier.arrive $0xFFFF;
	s2 =	simm.s32 @!p0 $0x1C05  }
0xb6: {  	[timem:s3], [sflag:s2] =	dma.local @!p0 [hbm:s0], s1  }
0xb7: {  	s0 =	simm.s32 @!p0 $0x5  }
0xb8: {  	_ =	swait.ge @!p0 [sflag:s0], s1  }
0xb9: {  	s1 =	ssub.s32 @!p0 $0x0, s1;
	[sflag:s0] =	ssyncset.done @!p0 $0x0  }
0xba: {  	[sflag:s0] =	ssyncadd.s32 @!p0 s1  }
0xbb: {  	[bflag:$0x3] =	sbarrier.arrive $0xFFFF  }
0xbc: {  	_ =	shalt  }

// kernel: sparse-core-data-format-call.1.cloned.1.call-start
scs
called_computation.1_lowered:
.L_overlay_start_0:
0x0: {  	s2 =	sld [smem:$0x3FD9]  }
0x1: {  	s3 =	sld [smem:$0x3FFE];
	_ =	sdelay $0x1  }
0x2: {  	s1 =	srdreg.scid  }
0x3: {  	s0 =	sand.u32 $0x1, s1  }
0x4: {  	s18 =	sshll.u32 s0, $0xA;
	s2 =	sadd.s32 s3, s2  }
0x5: {  	s2 =	sadd.s32 s2, s18  }
0x6: {  	[smem:$0x3FC5] =	sst s2  }
0x7: {  	_ = 	snop  }
0x8: {  	s2 =	sld [smem:$0x3FD0];
	(tm) =	ssettm $0x1  }
0x9: {  	s19 =	sld [smem:$0x3FFB];
	_ =	sdelay $0x3  }
0xa: {  	_ =	strace s19  }
0xb: {  	s3 =	sld [smem:$0x3FFC];
	_ =	sdelay $0x3  }
0xc: {  	_ =	strace s3  }
0xd: {  	s3 =	sld [smem:$0x3FFD];
	_ =	sdelay $0x3  }
0xe: {  	_ =	strace s3  }
0xf: {  	_ =	strace $0x8FFFFFFF  }
0x10: {  	s20 =	sld [smem:$0x3FDB];
	_ =	sdelay $0x1  }
0x11: {  	s4 =	simm.s32 $_scs_section_size  }
0x12: {  	s5 =	simm.s32 $_size__tile_overlayer_lowered;
	s6 =	simm.s32 $_tile_overlayer_lowered  }
0x13: {  	s23 =	simm.s32 $0x1BFF;
	s22 =	sshll.u32 s6, $0x1;
	s3 =	sadd.s32 s4, s20  }
0x14: {  	s7 =	simm.s32 $0x0;
	s21 =	sshll.u32 s5, $0x1;
	s5 =	sadd.s32 s22, s3  }
0x15: {  	[timem:s7], [sflag:s23] =	dma.local [hbm:s5], s21  }
0x16: {  	_ =	swait.ge [sflag:s23], s21  }
0x17: {  	s4 =	ssub.s32 $0x0, s21;
	[sflag:s23] =	ssyncset.done $0x0  }
0x18: {  	[sflag:s23] =	ssyncadd.s32 s4;
	_ =	sdelay $0x1  }
0x19: {  	s24 =	simm.s32 $0x1B8B  }
0x1a: {  	_ =	swait.ge [sflag:s24], $0x1  }
0x1b: {  	[sflag:s24] =	ssyncset.done $0x0  }
0x1c: {  	s26 =	simm.s32 $0x1B8E;
	s25 =	sld [smem:$0x3FFE];
	[sflag:s24] =	ssyncadd.s32 $0xFFFFFFFF  }
0x1d: {  	s27 =	simm.s32 $execute0_lowered;
	[smem:$0x3FD2] =	sst s26  }
0x1e: {  	s5 =	sshll.u32 s27, $0x1;
	_ =	strace $0x8000004C;
	[dreg:$0x1] =	wrdreg $0xFFFFFFFF  }
0x1f: {  	s28 =	simm.s32 $_size_execute0_lowered;
	s3 =	sadd.s32 s3, s5;
	[dreg:$0x0] =	wrdreg $0x0  }
0x20: {  	s5 =	sshll.u32 s28, $0x1;
	[dreg:$0x2] =	wrdreg s3  }
0x21: {  	[dreg:$0x3] =	wrdreg s5  }
0x22: {  	[dreg:$0x4] =	wrdreg $0xC0  }
0x23: {  	_ =	task [dreg:s7], $0x5FFFF  }
0x24: {  	[dreg:$0x1] =	wrdreg $0xFFFFFFFF  }
0x25: {  	[dreg:$0x0] =	wrdreg $0x60  }
0x26: {  	[dreg:$0x2] =	wrdreg s2  }
0x27: {  	[dreg:$0x3] =	wrdreg s25  }
0x28: {  	[dreg:$0x4] =	wrdreg $0x9  }
0x29: {  	_ =	task.clear_ibuf [dreg:s7], $0x5FFFF;
	_ =	strace $0x9000004C  }
0x2a: {  	s29 =	simm.s32 $0x9;
	_ =	strace $0x8000004E  }
0x2b: {  	_ =	swait.ge [sflag:s29], $0x1  }
0x2c: {  	[sflag:s29] =	ssyncadd.s32 $0xFFFFFFFF  }
0x2d: {  	_ =	strace $0x9000004E  }
0x2e: {  	_ =	sfence  }
0x2f: {  	s30 =	sld [smem:$0x0];
	_ =	sdelay $0x2  }
0x30: {  	s31 =	sshll.u32 s1, $0xD;
	s1 =	sshrl.u32 s1, $0x2  }
0x31: {  	s3 =	sand.u32 $0x4000, s31;
	s1 =	sadd.s32 s1, s30  }
0x32: {  	s0 =	sor.u32 s3, s0;
	s1 =	sshll.u32 s1, $0x11  }
0x33: {  	s0 =	sor.u32 s1, s0  }
0x34: {  	s0 =	sadd.s32 $0x8F2B, s0  }
0x35: {  	[sflag:s0] =	ssyncadd.remote.s32 $0x1  }
0x36: {  	_ =	sfence.sel $0xFFFF  }
0x37: {  	[dreg:$0x0] =	wrdreg $0xFFFFFFFF;
	(pc) =	sbr.abs _section_cstart, $3  }
0x38: {  	[dreg:$0x1] =	wrdreg $0xFFFFFFFF  }
0x39: {  	_ =	task.clear_ibuf [dreg:s7], $0x2FFFF;
	_ =	strace $0x9FFFFFFF  }
0x3a: {  	(tm) =	ssettm $0x7FFFFFFF  }
0x3b: {  	_ =	shalt  }
tec
execute0_lowered:
.L_overlay_start_1:
0x0: {  	(tag) =	ssettag $0x1  }
0x1: {  	s2 =	rddreg [dreg:$0x0]  }
0x2: {  	s1 =	rddreg [dreg:$0x1]  }
0x3: {  	s0 =	rddreg [dreg:$0x2];
	_ =	strace $0x8000004D;
	s4 =	srdreg.scid  }
0x4: {  	s6 =	simm.s32 $0x2;
	s13 =	simm.s32 $0x0;
	p0 =	por $0x0, $0x0  }
0x5: {  	s12 =	simm.s32 $0x0;
	s15 =	simm.s32 $0x0;
	s14 =	simm.s32 $0x0  }
.Ltmp0:
0x6: {  	s8 =	simm.s32 $0x0;
	s9 =	simm.s32 $0x0;
	(pc) =	sbr.rel .LBB1_1-.Ltmp0, $4  }
0x7: {  	s10 =	simm.s32 $0x0;
	s3 =	sadd.s32 $0x1400, s1;
	s5 =	sshll.u32 s4, $0x4  }
0x8: {  	s1 =	stileid.u32;
	s4 =	simm.s32 $0x1;
	s5 =	sand.u32 $0x10, s5  }
0x9: {  	s7 =	simm.s32 $0x0;
	[sflag:s4] =	ssyncpa.u1 $0x0;
	s5 =	sor.u32 s1, s5  }
0xa: {  	[sflag:s6] =	ssyncpa.u1 $0x0;
	s6 =	simm.s32 $0xC000;
	s11 =	smov.u32 s5  }
.LBB1_7:
0xb: {  	s16 =	sadd.s32 $0x100, s8  }
0xc: {  	s12 =	sadd.s32 $0x8, s9;
	s17 =	smov.u32 s9;
	p2 =	sgt.s32 s16, $0x2FF  }
0xd: {  	s17 =	smov.u32 @p2 s12  }
0xe: {  	s18 =	smov.u32 s10;
	s12 =	sadd.s32 $0x8, s10;
	p3 =	sgt.s32 s17, $0x7  }
0xf: {  	s18 =	smov.u32 @p3 s12  }
0x10: {  	s19 =	smov.u32 s11;
	s12 =	sadd.s32 $0x20, s11;
	p4 =	sgt.s32 s18, $0x3F  }
0x11: {  	p1 =	slt.u32 s7, $0x2;
	s19 =	smov.u32 @p4 s12  }
0x12: {  	s7 =	sadd.s32 $0x1, s7;
	s16 =	simm.s32 @p2 $0x0;
	p2 =	sgt.s32 s19, $0x7F  }
0x13: {  	s13 =	smov.u32 s8;
	s19 =	smov.u32 @p2 s5;
	p2 =	sne.s32 s7, $0x62  }
.Ltmp1:
0x14: {  	s15 =	smov.u32 s10;
	s20 =	simm.s32 @!p1 $0x2;
	(pc) =	sbr.rel @!p2 .LBB1_8-.Ltmp1, $4  }
0x15: {  	s14 =	smov.u32 s11;
	p0 =	por !p0, !p0;
	_ =	swait.ge @!p1 [sflag:s20], $0x4000  }
0x16: {  	[sflag:s20] =	ssyncset.done @!p1 $0x0;
	s8 =	smov.u32 s16;
	s17 =	simm.s32 @p3 $0x0  }
0x17: {  	[sflag:s20] =	ssyncadd.s32 @!p1 $0xFFFFC000;
	s18 =	simm.s32 @p4 $0x0;
	s12 =	smov.u32 s9  }
0x18: {  	s9 =	smov.u32 s17;
	s10 =	smov.u32 s18;
	s11 =	smov.u32 s19  }
.LBB1_1:
0x19: {  	p1 =	sgt.u32 s7, $0x5F  }
0x1a: {  	s16 =	sshrl.u32 @!p1 s9, $0x3  }
0x1b: {  	s17 =	sshll.u32 @!p1 s8, $0x3;
	s16 =	smul.u32 @!p1 $0x1800, s16  }
0x1c: {  	s18 =	sshll.u32 @!p1 s9, $0x7;
	s17 =	sand.u32 @!p1 $0xFFFFFC00, s17  }
0x1d: {  	s16 =	sadd.s32 @!p1 s16, s17;
	s17 =	sand.u32 @!p1 $0x380, s18  }
0x1e: {  	s18 =	sand.u32 @!p1 $0x7F, s8;
	s16 =	sor.u32 @!p1 s17, s16  }
0x1f: {  	s17 =	sor.u32 @!p1 s18, s16  }
0x20: {  	s18 =	smulhi.u32 @!p1 $0xAAAAAAAB, s17  }
0x21: {  	s16 =	smulhi.u32 @!p1 $0xAAAAAAAB, s16  }
0x22: {  	s20 =	smul.u32 @!p1 $0xC000, s11;
	s18 =	sshrl.u32 @!p1 s18, $0x9  }
0x23: {  	s19 =	sxor.u32 @!p1 $0xFFFFFFFF, s7;
	s16 =	sshrl.u32 @!p1 s16, $0x9;
	s18 =	smul.u32 @!p1 $0x300, s18  }
0x24: {  	s21 =	smul.u32 @!p1 $0x300, s10;
	s19 =	sshll.u32 @!p1 s19, $0xE;
	s16 =	sand.u32 @!p1 $0x7, s16  }
0x25: {  	s16 =	smul.u32 @!p1 $0x60, s16;
	s17 =	ssub.s32 @!p1 s17, s18;
	s18 =	sadd.s32 @!p1 s2, s20  }
0x26: {  	s19 =	sand.u32 @!p1 $0x4000, s19;
	s18 =	sadd.s32 @!p1 s21, s18;
	s20 =	sand.u32 @!p1 $0x7, s17  }
0x27: {  	s17 =	sshrl.u32 @!p1 s17, $0x3;
	s16 =	sadd.s32 @!p1 s16, s18;
	s18 =	sshll.u32 @!p1 s20, $0x12  }
0x28: {  	s16 =	sadd.s32 @!p1 s17, s16;
	s17 =	sor.u32 @!p1 $0x800, s18;
	s18 =	simm.s32 @!p1 $0x1800  }
0x29: {  	[tilespmem:s19], [sflag:$0x1] =	stream.strided.gather @!p1 [hbm4b:s16+s17], $0x4000, s18, s17, $0x38;
	[tilespmem:$0x10000] =	vst v63  }
0x2a: {  	p1 =	seq.s32 s7, $0x0  }
0x2b: {  	p2 =	seq.s32 @!p1 s7, $0x61  }
0x2c: {  	p1 =	por p1, p2  }
.Ltmp2:
0x2d: {  	_ = 	snop;
	(pc) =	sbr.rel @p1 .LBB1_7-.Ltmp2, $1  }
0x2e: {  	_ =	sdelay $0x3  }
0x2f: {  	s16 =	simm.s32 $0x1;
	_ =	swait.ge [sflag:s4], $0x4000  }
0x30: {  	s31 =	sshll.u32 s7, $0xE;
	s21 =	simm.s32 $0x0;
	p1 =	por $0x0, $0x0  }
0x31: {  	s22 =	simm.s32 $0x0;
	s23 =	simm.s32 $0x0;
	s16 =	simm.s32 @!p0 $0x0  }
0x32: {  	[sflag:s4] =	ssyncset.done $0x0;
	s19 =	sand.u32 $0x4000, s31;
	s16 =	sshll.u32 s16, $0x10  }
0x33: {  	[sflag:s4] =	ssyncadd.s32 $0xFFFFC000;
	s20 =	sshrl.u32 s16, $0x2;
	s16 =	sor.u32 $0x8000, s19  }
0x34: {  	s17 =	sor.u32 $0x40, s20;
	s18 =	sor.u32 $0x8410, s20;
	s20 =	sadd.s32 $0x8400, s20  }
.LBB1_3:
0x35: {  	v1 =	vld [tilespmem:s17+$0xFFFFFFD0]  }
0x36: {  	v2 =	vld [tilespmem:s17+$0x430]  }
0x37: {  	s24 =	sshll.u32 s23, $0xB;
	v4 =	vld [tilespmem:s17+$0xFFFFFFE0]  }
0x38: {  	v7 =	vld [tilespmem:s17+$0xFFFFFFF0];
	v0 =	vmov s24  }
0x39: {  	v8 =	vld [tilespmem:s17+$0x0]  }
0x3a: {  	s30 =	sand.u32 $0x300, s21;
	v9 =	vld [tilespmem:s17+$0x10]  }
0x3b: {  	s25 =	sand.u32 $0x80, s21;
	v10 =	vld [tilespmem:s17+$0x20];
	s24 =	sadd.s32 s30, s19  }
0x3c: {  	v11 =	vld [tilespmem:s17+$0x30];
	s24 =	sadd.s32 s25, s24;
	s25 =	simm.s32 $0x1;
	[tilespmem:s18+$0x60] =	vst v2  }
0x3d: {  	s31 =	sshll.u32 s22, $0x2;
	s25 =	simm.s32 @!p1 $0x0;
	[tilespmem:s18+$0xFFFFFC00] =	vst v1;
	v3 =	vld.idx.msk [tilespmem:v0+s24+$0x400 ss:$0x1], $0xffff  }
0x3e: {  	v6 =	vld [tilespmem:s17+$0x3D0];
	s25 =	sshll.u32 s25, $0x9;
	[tilespmem:s18+$0xFFFFFC10] =	vst v4;
	s24 =	sand.u32 $0xFFFFFC00, s31  }
0x3f: {  	v5 =	vld [tilespmem:s17+$0x3E0];
	[tilespmem:s18+$0xFFFFFC20] =	vst v7;
	s24 =	sor.u32 s25, s24  }
0x40: {  	[tilespmem:s18+$0xFFFFFC30] =	vst v8;
	v4 =	vld [tilespmem:s17+$0x400];
	s24 =	sshrl.u32 s24, $0x2  }
0x41: {  	[tilespmem:s18+$0xFFFFFC40] =	vst v9;
	v1 =	vld [tilespmem:s17+$0x410];
	s24 =	sadd.s32 s24, s20  }
0x42: {  	[tilespmem:s24+$0x0] =	vst v3;
	v3 =	vld [tilespmem:s17+$0x3F0]  }
0x43: {  	s28 =	simm.s32 $0x80;
	s27 =	simm.s32 $0x100;
	[tilespmem:s18+$0xFFFFFC50] =	vst v10;
	v2 =	vld [tilespmem:s17+$0x420]  }
0x44: {  	s26 =	smov.u32 s18;
	s29 =	sand.u32 $0x300, s28;
	v7 =	vld [tilespmem:s17+$0xFFFFFFC0];
	[tilespmem:s18+$0xFFFFFC60] =	vst v11;
	s25 =	sadd.s32 $0x80, s17  }
.LBB1_4:
0x45: {  	p2 =	sne.s32 s27, $0x380;
	v8 =	vld [tilespmem:s25+$0xFFFFFFD0];
	s28 =	sand.u32 $0x80, s28;
	s29 =	sadd.s32 s29, s19;
	[tilespmem:s26+$0x0] =	vst v6  }
0x46: {  	s29 =	sadd.s32 s28, s29;
	v6 =	vld [tilespmem:s25+$0x430];
	[tilespmem:s26+$0x10] =	vst v5;
	s28 =	smov.u32 s27  }
0x47: {  	v5 =	vld.idx.msk [tilespmem:v0+s29+$0x400 ss:$0x1], $0xffff;
	[tilespmem:s26+$0x20] =	vst v3  }
0x48: {  	v3 =	vld [tilespmem:s25+$0xFFFFFFE0];
	[tilespmem:s26+$0x30] =	vst v4  }
0x49: {  	v4 =	vld [tilespmem:s25+$0xFFFFFFF0];
	[tilespmem:s26+$0xFFFFFBF0] =	vst v7  }
0x4a: {  	v7 =	vld [tilespmem:s25+$0x0];
	[tilespmem:s26+$0x40] =	vst v1  }
0x4b: {  	v1 =	vld [tilespmem:s25+$0x10];
	[tilespmem:s26+$0x50] =	vst v2;
	s26 =	sadd.s32 $0x800, s26  }
0x4c: {  	s24 =	sadd.s32 $0x800, s24;
	v2 =	vld [tilespmem:s25+$0x20];
	[tilespmem:s26+$0x60] =	vst v6  }
0x4d: {  	v9 =	vld [tilespmem:s25+$0x30];
	[tilespmem:s24+$0x0] =	vst v5  }
0x4e: {  	[tilespmem:s26+$0xFFFFFC00] =	vst v8;
	v6 =	vld [tilespmem:s25+$0x3D0]  }
0x4f: {  	[tilespmem:s26+$0xFFFFFC10] =	vst v3;
	v5 =	vld [tilespmem:s25+$0x3E0]  }
.Ltmp3:
0x50: {  	[tilespmem:s26+$0xFFFFFC20] =	vst v4;
	v3 =	vld [tilespmem:s25+$0x3F0];
	(pc) =	sbr.rel @p2 .LBB1_4-.Ltmp3, $4  }
0x51: {  	[tilespmem:s26+$0xFFFFFC30] =	vst v7;
	v4 =	vld [tilespmem:s25+$0x400]  }
0x52: {  	[tilespmem:s26+$0xFFFFFC40] =	vst v1;
	v1 =	vld [tilespmem:s25+$0x410]  }
0x53: {  	[tilespmem:s26+$0xFFFFFC50] =	vst v2;
	v2 =	vld [tilespmem:s25+$0x420]  }
0x54: {  	s27 =	sadd.s32 $0x80, s27;
	s29 =	sand.u32 $0x300, s28;
	v7 =	vld [tilespmem:s25+$0xFFFFFFC0];
	[tilespmem:s26+$0xFFFFFC60] =	vst v9;
	s25 =	sadd.s32 $0x80, s25  }
0x55: {  	[tilespmem:s26+$0x0] =	vst v6  }
0x56: {  	[tilespmem:s26+$0x10] =	vst v5  }
0x57: {  	v49 =	vld [tilespmem:s25+$0x430];
	[tilespmem:s26+$0x20] =	vst v3  }
0x58: {  	v50 =	vld [tilespmem:s25+$0xFFFFFFD0];
	[tilespmem:s26+$0x30] =	vst v4  }
0x59: {  	v51 =	vld [tilespmem:s25+$0xFFFFFFE0];
	[tilespmem:s26+$0x40] =	vst v1  }
0x5a: {  	v52 =	vld [tilespmem:s25+$0xFFFFFFF0];
	[tilespmem:s26+$0x50] =	vst v2  }
0x5b: {  	s31 =	sadd.s32 $0x800, s26;
	v53 =	vld [tilespmem:s25+$0x0];
	[tilespmem:s26+$0xFFFFFBF0] =	vst v7  }
0x5c: {  	v54 =	vld [tilespmem:s25+$0x10];
	[tilespmem:s31+$0x60] =	vst v49  }
0x5d: {  	v55 =	vld [tilespmem:s25+$0x20];
	[tilespmem:s31+$0xFFFFFC00] =	vst v50  }
0x5e: {  	v56 =	vld [tilespmem:s25+$0x30];
	[tilespmem:s31+$0xFFFFFC10] =	vst v51  }
0x5f: {  	v57 =	vld [tilespmem:s25+$0x3D0];
	[tilespmem:s31+$0xFFFFFC20] =	vst v52  }
0x60: {  	v58 =	vld [tilespmem:s25+$0x3E0];
	[tilespmem:s31+$0xFFFFFC30] =	vst v53  }
0x61: {  	v59 =	vld [tilespmem:s25+$0x3F0];
	[tilespmem:s31+$0xFFFFFC40] =	vst v54  }
0x62: {  	v60 =	vld [tilespmem:s25+$0x400];
	[tilespmem:s31+$0xFFFFFC50] =	vst v55  }
0x63: {  	v61 =	vld [tilespmem:s25+$0xFFFFFFC0];
	[tilespmem:s31+$0xFFFFFC60] =	vst v56  }
0x64: {  	s27 =	sand.u32 $0x80, s28;
	s30 =	sadd.s32 s29, s19;
	v62 =	vld [tilespmem:s25+$0x410];
	[tilespmem:s31+$0x0] =	vst v57  }
0x65: {  	v63 =	vld [tilespmem:s25+$0x420];
	s23 =	sadd.s32 $0x1, s23;
	s27 =	sadd.s32 s27, s30;
	[tilespmem:s31+$0x10] =	vst v58  }
0x66: {  	p2 =	sne.s32 s23, $0x8;
	v0 =	vld.idx.msk [tilespmem:v0+s27+$0x400 ss:$0x1], $0xffff;
	[tilespmem:s31+$0x20] =	vst v59  }
.Ltmp4:
0x67: {  	[tilespmem:s31+$0x30] =	vst v60;
	(pc) =	sbr.rel @p2 .LBB1_3-.Ltmp4, $4  }
0x68: {  	[tilespmem:s31+$0xFFFFFBF0] =	vst v61  }
0x69: {  	[tilespmem:s31+$0x40] =	vst v62  }
0x6a: {  	s24 =	sadd.s32 $0x800, s24;
	s17 =	sadd.s32 $0x800, s17;
	[tilespmem:s31+$0x50] =	vst v63  }
0x6b: {  	s22 =	sadd.s32 $0x80, s22;
	p1 =	por !p1, !p1;
	s18 =	sadd.s32 $0x80, s18;
	[tilespmem:s24+$0x0] =	vst v0  }
0x6c: {  	s17 =	sshrl.u32 s15, $0x3  }
0x6d: {  	s18 =	sshll.u32 s13, $0x3;
	s17 =	smul.u32 $0x1800, s17  }
0x6e: {  	s27 =	sshll.u32 s15, $0x7;
	s18 =	sand.u32 $0xFFFFFC00, s18  }
0x6f: {  	s15 =	sand.u32 $0x380, s27;
	s17 =	sadd.s32 s17, s18  }
0x70: {  	s28 =	sand.u32 $0x7F, s13;
	s15 =	sor.u32 s15, s17  }
0x71: {  	s13 =	sor.u32 s28, s15;
	s15 =	smulhi.u32 $0xAAAAAAAB, s15  }
0x72: {  	s29 =	smulhi.u32 $0xAAAAAAAB, s13  }
0x73: {  	s14 =	smul.u32 $0xC000, s14  }
0x74: {  	s12 =	smul.u32 $0x1800, s12;
	s15 =	sshrl.u32 s15, $0x9;
	s17 =	sshrl.u32 s29, $0x9  }
0x75: {  	s15 =	sand.u32 $0x3F, s15;
	s17 =	smul.u32 $0x300, s17  }
0x76: {  	s15 =	smul.u32 $0x60, s15  }
.Ltmp5:
0x77: {  	s14 =	sadd.s32 s3, s14;
	s13 =	ssub.s32 s13, s17;
	(pc) =	sbr.rel .LBB1_7-.Ltmp5, $4  }
0x78: {  	s12 =	sadd.s32 s12, s14;
	s30 =	sand.u32 $0x7, s13  }
0x79: {  	s12 =	sadd.s32 s15, s12;
	s13 =	sshrl.u32 s13, $0x3;
	s14 =	sshll.u32 s30, $0x12  }
0x7a: {  	s12 =	sadd.s32 s13, s12;
	s31 =	sor.u32 $0x800, s14  }
0x7b: {  	[hbm4b:s12+s31] =	stream.strided.scatter [tilespmem:s16], [sflag:$0x2], $0x4000, s6, s31, $0x38;
	[tilespmem:$0x10000] =	vst v63  }
.LBB1_8:
0x7c: {  	_ =	sfence.sel $0x180000  }
0x7d: {  	s2 =	simm.s32 $0x1;
	[bflag:$0x0] =	sbarrier.arrive $0xFFFF  }
0x7e: {  	s31 =	simm.s32 $0x2;
	[sflag:s2] =	ssyncpa.u1 $0x1  }
0x7f: {  	[sflag:s31] =	ssyncpa.u1 $0x1  }
0x80: {  	p0 =	sne.s32 s1, $0x0;
	_ =	strace $0x9000004D  }
0x81: {  	s0 =	sadd.s32 @!p0 $0x100000, s0;
	[bflag:$0x2] =	sbarrier.arrive $0xFFFF  }
0x82: {  	[sflag:s0] =	ssyncadd.tile.s32 @!p0 $0x1;
	_ =	shalt  }
.Lfunc_end1:
_tile_overlayer_lowered:
.L_overlay_start_2:
0x83: {  	(tag) =	ssettag $0x2  }
0x84: {  	s0 =	rddreg [dreg:$0x0];
	s2 =	stileid.u32  }
0x85: {  	s1 =	rddreg [dreg:$0x1];
	p0 =	sne.s32 s2, $0x0  }
0x86: {  	s3 =	rddreg [dreg:$0x2];
	[bflag:$0x3] =	sbarrier.arrive $0xFFFF;
	s2 =	simm.s32 @!p0 $0x1C01  }
0x87: {  	[timem:s3], [sflag:s2] =	dma.local @!p0 [hbm:s0], s1  }
0x88: {  	s0 =	simm.s32 @!p0 $0x1  }
0x89: {  	_ =	swait.ge @!p0 [sflag:s0], s1  }
0x8a: {  	s1 =	ssub.s32 @!p0 $0x0, s1;
	[sflag:s0] =	ssyncset.done @!p0 $0x0  }
0x8b: {  	[sflag:s0] =	ssyncadd.s32 @!p0 s1  }
0x8c: {  	[bflag:$0x3] =	sbarrier.arrive $0xFFFF  }
0x8d: {  	_ =	shalt  }

// kernel: sparse-core-data-format-call.2.cloned.1.call-start
scs
called_computation.2_lowered:
.L_overlay_start_0:
0x0: {  	s2 =	sld [smem:$0x3FD9]  }
0x1: {  	s3 =	sld [smem:$0x3FFE];
	_ =	sdelay $0x1  }
0x2: {  	s1 =	srdreg.scid  }
0x3: {  	s0 =	sand.u32 $0x1, s1  }
0x4: {  	s18 =	sshll.u32 s0, $0xA;
	s2 =	sadd.s32 s3, s2  }
0x5: {  	s2 =	sadd.s32 s2, s18  }
0x6: {  	[smem:$0x3FC5] =	sst s2  }
0x7: {  	_ = 	snop  }
0x8: {  	s2 =	sld [smem:$0x3FD0];
	(tm) =	ssettm $0x1  }
0x9: {  	s19 =	sld [smem:$0x3FFB];
	_ =	sdelay $0x3  }
0xa: {  	_ =	strace s19  }
0xb: {  	s3 =	sld [smem:$0x3FFC];
	_ =	sdelay $0x3  }
0xc: {  	_ =	strace s3  }
0xd: {  	s3 =	sld [smem:$0x3FFD];
	_ =	sdelay $0x3  }
0xe: {  	_ =	strace s3  }
0xf: {  	_ =	strace $0x8FFFFFFF  }
0x10: {  	s20 =	sld [smem:$0x3FDB];
	_ =	sdelay $0x1  }
0x11: {  	s4 =	simm.s32 $_scs_section_size  }
0x12: {  	s5 =	simm.s32 $_size__tile_overlayer_lowered;
	s6 =	simm.s32 $_tile_overlayer_lowered  }
0x13: {  	s23 =	simm.s32 $0x1BFF;
	s22 =	sshll.u32 s6, $0x1;
	s3 =	sadd.s32 s4, s20  }
0x14: {  	s7 =	simm.s32 $0x0;
	s21 =	sshll.u32 s5, $0x1;
	s5 =	sadd.s32 s22, s3  }
0x15: {  	[timem:s7], [sflag:s23] =	dma.local [hbm:s5], s21  }
0x16: {  	_ =	swait.ge [sflag:s23], s21  }
0x17: {  	s4 =	ssub.s32 $0x0, s21;
	[sflag:s23] =	ssyncset.done $0x0  }
0x18: {  	[sflag:s23] =	ssyncadd.s32 s4;
	_ =	sdelay $0x1  }
0x19: {  	s24 =	simm.s32 $0x1B8B  }
0x1a: {  	_ =	swait.ge [sflag:s24], $0x1  }
0x1b: {  	[sflag:s24] =	ssyncset.done $0x0  }
0x1c: {  	s26 =	simm.s32 $0x1B8E;
	s25 =	sld [smem:$0x3FFE];
	[sflag:s24] =	ssyncadd.s32 $0xFFFFFFFF  }
0x1d: {  	s27 =	simm.s32 $execute0_lowered;
	[smem:$0x3FD2] =	sst s26  }
0x1e: {  	s5 =	sshll.u32 s27, $0x1;
	_ =	strace $0x80000046;
	[dreg:$0x1] =	wrdreg $0xFFFFFFFF  }
0x1f: {  	s28 =	simm.s32 $_size_execute0_lowered;
	s3 =	sadd.s32 s3, s5;
	[dreg:$0x0] =	wrdreg $0x0  }
0x20: {  	s5 =	sshll.u32 s28, $0x1;
	[dreg:$0x2] =	wrdreg s3  }
0x21: {  	[dreg:$0x3] =	wrdreg s5  }
0x22: {  	[dreg:$0x4] =	wrdreg $0xC0  }
0x23: {  	_ =	task [dreg:s7], $0x5FFFF  }
0x24: {  	[dreg:$0x1] =	wrdreg $0xFFFFFFFF  }
0x25: {  	[dreg:$0x0] =	wrdreg $0x60  }
0x26: {  	[dreg:$0x2] =	wrdreg s2  }
0x27: {  	[dreg:$0x3] =	wrdreg s25  }
0x28: {  	[dreg:$0x4] =	wrdreg $0x9  }
0x29: {  	_ =	task.clear_ibuf [dreg:s7], $0x5FFFF;
	_ =	strace $0x90000046  }
0x2a: {  	s29 =	simm.s32 $0x9;
	_ =	strace $0x80000048  }
0x2b: {  	_ =	swait.ge [sflag:s29], $0x1  }
0x2c: {  	[sflag:s29] =	ssyncadd.s32 $0xFFFFFFFF  }
0x2d: {  	_ =	strace $0x90000048  }
0x2e: {  	_ =	sfence  }
0x2f: {  	s30 =	sld [smem:$0x0];
	_ =	sdelay $0x2  }
0x30: {  	s31 =	sshll.u32 s1, $0xD;
	s1 =	sshrl.u32 s1, $0x2  }
0x31: {  	s3 =	sand.u32 $0x4000, s31;
	s1 =	sadd.s32 s1, s30  }
0x32: {  	s0 =	sor.u32 s3, s0;
	s1 =	sshll.u32 s1, $0x11  }
0x33: {  	s0 =	sor.u32 s1, s0  }
0x34: {  	s0 =	sadd.s32 $0x8F2B, s0  }
0x35: {  	[sflag:s0] =	ssyncadd.remote.s32 $0x1  }
0x36: {  	_ =	sfence.sel $0xFFFF  }
0x37: {  	[dreg:$0x0] =	wrdreg $0xFFFFFFFF;
	(pc) =	sbr.abs _section_cstart, $3  }
0x38: {  	[dreg:$0x1] =	wrdreg $0xFFFFFFFF  }
0x39: {  	_ =	task.clear_ibuf [dreg:s7], $0x2FFFF;
	_ =	strace $0x9FFFFFFF  }
0x3a: {  	(tm) =	ssettm $0x7FFFFFFF  }
0x3b: {  	_ =	shalt  }
tec
execute0_lowered:
.L_overlay_start_1:
0x0: {  	(tag) =	ssettag $0x1  }
0x1: {  	s2 =	rddreg [dreg:$0x0]  }
0x2: {  	s1 =	rddreg [dreg:$0x1]  }
0x3: {  	s0 =	rddreg [dreg:$0x2]  }
0x4: {  	_ =	strace $0x80000047;
	s4 =	srdreg.scid;
	s6 =	simm.s32 $0x2  }
0x5: {  	s13 =	simm.s32 $0x0;
	p0 =	por $0x0, $0x0;
	s12 =	simm.s32 $0x0  }
0x6: {  	s15 =	simm.s32 $0x0;
	s14 =	simm.s32 $0x0;
	s8 =	simm.s32 $0x0  }
.Ltmp0:
0x7: {  	s9 =	simm.s32 $0x0;
	s10 =	simm.s32 $0x0;
	(pc) =	sbr.rel .LBB1_1-.Ltmp0, $4  }
0x8: {  	s7 =	simm.s32 $0x0;
	s3 =	sadd.s32 $0x1400, s1;
	s5 =	sshll.u32 s4, $0x4  }
0x9: {  	s1 =	stileid.u32;
	s4 =	simm.s32 $0x1;
	s5 =	sand.u32 $0x10, s5  }
0xa: {  	s22 =	simm.s32 $0x0;
	[sflag:s4] =	ssyncpa.u1 $0x0;
	s5 =	sor.u32 s1, s5  }
0xb: {  	[sflag:s6] =	ssyncpa.u1 $0x0;
	s6 =	simm.s32 $0x1800;
	s11 =	smov.u32 s5  }
.LBB1_7:
0xc: {  	s16 =	sadd.s32 $0x80, s8  }
0xd: {  	s12 =	sadd.s32 $0x40, s9;
	s17 =	smov.u32 s9;
	p2 =	sgt.s32 s16, $0x2FF  }
0xe: {  	s17 =	smov.u32 @p2 s12  }
0xf: {  	s18 =	smov.u32 s10;
	s12 =	sadd.s32 $0x2, s10;
	p3 =	sgt.s32 s17, $0x3F  }
0x10: {  	s18 =	smov.u32 @p3 s12  }
0x11: {  	s19 =	smov.u32 s11;
	s12 =	sadd.s32 $0x20, s11;
	p4 =	sgt.s32 s18, $0x7  }
0x12: {  	p1 =	slt.u32 s7, $0x2;
	s19 =	smov.u32 @p4 s12  }
0x13: {  	s7 =	sadd.s32 $0x1, s7;
	s16 =	simm.s32 @p2 $0x0;
	p2 =	sgt.s32 s19, $0x7F  }
0x14: {  	s13 =	smov.u32 s8;
	s19 =	smov.u32 @p2 s5;
	p2 =	sne.s32 s7, $0x62  }
.Ltmp1:
0x15: {  	s15 =	smov.u32 s10;
	s20 =	simm.s32 @!p1 $0x2;
	(pc) =	sbr.rel @!p2 .LBB1_8-.Ltmp1, $4  }
0x16: {  	s14 =	smov.u32 s11;
	p0 =	por !p0, !p0;
	_ =	swait.ge @!p1 [sflag:s20], $0x4000  }
0x17: {  	[sflag:s20] =	ssyncset.done @!p1 $0x0;
	s8 =	smov.u32 s16;
	s17 =	simm.s32 @p3 $0x0  }
0x18: {  	[sflag:s20] =	ssyncadd.s32 @!p1 $0xFFFFC000;
	s18 =	simm.s32 @p4 $0x0;
	s12 =	smov.u32 s9  }
0x19: {  	s9 =	smov.u32 s17;
	s10 =	smov.u32 s18;
	s11 =	smov.u32 s19  }
.LBB1_1:
0x1a: {  	p1 =	sgt.u32 s7, $0x5F  }
0x1b: {  	s16 =	sshrl.u32 @!p1 s9, $0x3  }
0x1c: {  	s17 =	sshll.u32 @!p1 s8, $0x3;
	s16 =	smul.u32 @!p1 $0x1800, s16  }
0x1d: {  	s18 =	sshll.u32 @!p1 s9, $0x7;
	s17 =	sand.u32 @!p1 $0xFFFFFC00, s17  }
0x1e: {  	s16 =	sadd.s32 @!p1 s16, s17;
	s17 =	sand.u32 @!p1 $0x380, s18  }
0x1f: {  	s18 =	sand.u32 @!p1 $0x7F, s8;
	s16 =	sor.u32 @!p1 s17, s16  }
0x20: {  	s17 =	sor.u32 @!p1 s18, s16  }
0x21: {  	s18 =	smulhi.u32 @!p1 $0xAAAAAAAB, s17  }
0x22: {  	s16 =	smulhi.u32 @!p1 $0xAAAAAAAB, s16  }
0x23: {  	s20 =	smul.u32 @!p1 $0xC000, s11;
	s18 =	sshrl.u32 @!p1 s18, $0x9  }
0x24: {  	s19 =	sxor.u32 @!p1 $0xFFFFFFFF, s7;
	s16 =	sshrl.u32 @!p1 s16, $0x9;
	s18 =	smul.u32 @!p1 $0x300, s18  }
0x25: {  	s21 =	smul.u32 @!p1 $0x1800, s10;
	s19 =	sshll.u32 @!p1 s19, $0xE;
	s16 =	sand.u32 @!p1 $0x3F, s16  }
0x26: {  	s16 =	smul.u32 @!p1 $0x60, s16;
	s17 =	ssub.s32 @!p1 s17, s18;
	s18 =	sadd.s32 @!p1 s2, s20  }
0x27: {  	s19 =	sand.u32 @!p1 $0x4000, s19;
	s18 =	sadd.s32 @!p1 s21, s18;
	s20 =	sand.u32 @!p1 $0x7, s17  }
0x28: {  	s17 =	sshrl.u32 @!p1 s17, $0x3;
	s16 =	sadd.s32 @!p1 s16, s18;
	s18 =	sshll.u32 @!p1 s20, $0x12  }
0x29: {  	s16 =	sadd.s32 @!p1 s17, s16;
	s17 =	sor.u32 @!p1 $0x400, s18;
	s18 =	simm.s32 @!p1 $0x1800  }
0x2a: {  	[tilespmem:s19], [sflag:$0x1] =	stream.strided.gather @!p1 [hbm4b:s16+s17], $0x4000, s18, s17, $0x38;
	[tilespmem:$0x10000] =	vst v63  }
0x2b: {  	p1 =	seq.s32 s7, $0x0  }
0x2c: {  	p2 =	seq.s32 @!p1 s7, $0x61  }
0x2d: {  	p1 =	por p1, p2  }
.Ltmp2:
0x2e: {  	_ = 	snop;
	(pc) =	sbr.rel @p1 .LBB1_7-.Ltmp2, $1  }
0x2f: {  	_ =	sdelay $0x3  }
0x30: {  	s16 =	simm.s32 $0x1;
	_ =	swait.ge [sflag:s4], $0x4000  }
0x31: {  	s17 =	sshll.u32 s7, $0xE;
	s19 =	simm.s32 $0x0;
	s16 =	simm.s32 @!p0 $0x0  }
0x32: {  	p2 =	por $0x1, $0x1;
	[sflag:s4] =	ssyncset.done $0x0;
	s16 =	sshll.u32 s16, $0x10  }
0x33: {  	s17 =	sand.u32 $0x4000, s17;
	[sflag:s4] =	ssyncadd.s32 $0xFFFFC000;
	s18 =	sshrl.u32 s16, $0x2  }
0x34: {  	s16 =	sor.u32 $0x8000, s17;
	s17 =	sadd.s32 $0x8040, s18;
	s18 =	sadd.s32 $0x40, s18  }
.LBB1_3:
0x35: {  	s20 =	sshll.u32 s19, $0xD  }
0x36: {  	s20 =	sand.u32 $0x3FFFE000, s20  }
0x37: {  	s20 =	sadd.s32 s20, s18  }
0x38: {  	v0 =	vmov s20;
	_ =	sdelay $0x4  }
0x39: {  	v6 =	vld.idx.msk [tilespmem:v0+s22+$0x30 ss:$0x1], $0xffff  }
0x3a: {  	v7 =	vld.idx.msk [tilespmem:v0+s22+$0xFFFFFFC0 ss:$0x1], $0xffff  }
0x3b: {  	v1 =	vld.idx.msk [tilespmem:v0+s22+$0xFFFFFFD0 ss:$0x1], $0xffff  }
0x3c: {  	s31 =	sshll.u32 s19, $0x7;
	v2 =	vld.idx.msk [tilespmem:v0+s22+$0xFFFFFFE0 ss:$0x1], $0xffff  }
0x3d: {  	s19 =	sand.u32 $0x3FFFFF80, s31;
	v3 =	vld.idx.msk [tilespmem:v0+s22+$0xFFFFFFF0 ss:$0x1], $0xffff  }
0x3e: {  	s19 =	sadd.s32 s19, s17;
	v4 =	vld.idx.msk [tilespmem:v0+s22+$0x0 ss:$0x1], $0xffff  }
0x3f: {  	v5 =	vld.idx.msk [tilespmem:v0+s22+$0x10 ss:$0x1], $0xffff;
	[tilespmem:s19+$0x30] =	vst v6  }
0x40: {  	p1 =	por p2, p2;
	s21 =	simm.s32 $0x400;
	s20 =	simm.s32 $0x80;
	[tilespmem:s19+$0xFFFFFFC0] =	vst v7;
	v6 =	vld.idx.msk [tilespmem:v0+s22+$0x20 ss:$0x1], $0xffff  }
.LBB1_4:
0x41: {  	p2 =	sne.s32 s21, $0x7E00;
	v7 =	vld.idx.msk [tilespmem:v0+s20+$0x30 ss:$0x1], $0xffff;
	[tilespmem:s19+$0xFFFFFFD0] =	vst v1  }
0x42: {  	v8 =	vld.idx.msk [tilespmem:v0+s20+$0xFFFFFFC0 ss:$0x1], $0xffff;
	[tilespmem:s19+$0xFFFFFFE0] =	vst v2  }
0x43: {  	v1 =	vld.idx.msk [tilespmem:v0+s20+$0xFFFFFFD0 ss:$0x1], $0xffff;
	[tilespmem:s19+$0xFFFFFFF0] =	vst v3  }
.Ltmp3:
0x44: {  	v2 =	vld.idx.msk [tilespmem:v0+s20+$0xFFFFFFE0 ss:$0x1], $0xffff;
	[tilespmem:s19+$0x0] =	vst v4;
	(pc) =	sbr.rel @p2 .LBB1_4-.Ltmp3, $4  }
0x45: {  	v3 =	vld.idx.msk [tilespmem:v0+s20+$0xFFFFFFF0 ss:$0x1], $0xffff;
	[tilespmem:s19+$0x10] =	vst v5  }
0x46: {  	v4 =	vld.idx.msk [tilespmem:v0+s20+$0x0 ss:$0x1], $0xffff;
	[tilespmem:s19+$0x20] =	vst v6;
	s19 =	sadd.s32 $0x100, s19  }
0x47: {  	v5 =	vld.idx.msk [tilespmem:v0+s20+$0x10 ss:$0x1], $0xffff;
	[tilespmem:s19+$0x30] =	vst v7  }
0x48: {  	[tilespmem:s19+$0xFFFFFFC0] =	vst v8;
	v6 =	vld.idx.msk [tilespmem:v0+s20+$0x20 ss:$0x1], $0xffff;
	s20 =	sshra.s32 s21, $0x2;
	s21 =	sadd.s32 $0x200, s21  }
0x49: {  	_ =	sdelay $0x2  }
0x4a: {  	[tilespmem:s19+$0xFFFFFFD0] =	vst v1  }
0x4b: {  	v56 =	vld.idx.msk [tilespmem:v0+s20+$0x30 ss:$0x1], $0xffff;
	[tilespmem:s19+$0xFFFFFFE0] =	vst v2  }
0x4c: {  	v57 =	vld.idx.msk [tilespmem:v0+s20+$0xFFFFFFC0 ss:$0x1], $0xffff;
	[tilespmem:s19+$0xFFFFFFF0] =	vst v3  }
0x4d: {  	v58 =	vld.idx.msk [tilespmem:v0+s20+$0xFFFFFFD0 ss:$0x1], $0xffff;
	[tilespmem:s19+$0x0] =	vst v4  }
0x4e: {  	v59 =	vld.idx.msk [tilespmem:v0+s20+$0xFFFFFFE0 ss:$0x1], $0xffff;
	[tilespmem:s19+$0x10] =	vst v5  }
0x4f: {  	v60 =	vld.idx.msk [tilespmem:v0+s20+$0xFFFFFFF0 ss:$0x1], $0xffff;
	s31 =	sadd.s32 $0x100, s19;
	[tilespmem:s19+$0x20] =	vst v6  }
0x50: {  	v61 =	vld.idx.msk [tilespmem:v0+s20+$0x0 ss:$0x1], $0xffff;
	[tilespmem:s31+$0x30] =	vst v56  }
0x51: {  	v62 =	vld.idx.msk [tilespmem:v0+s20+$0x10 ss:$0x1], $0xffff;
	[tilespmem:s31+$0xFFFFFFC0] =	vst v57  }
0x52: {  	v63 =	vld.idx.msk [tilespmem:v0+s20+$0x20 ss:$0x1], $0xffff;
	[tilespmem:s31+$0xFFFFFFD0] =	vst v58  }
.Ltmp4:
0x53: {  	[tilespmem:s31+$0xFFFFFFE0] =	vst v59;
	(pc) =	sbr.rel @p1 .LBB1_3-.Ltmp4, $4  }
0x54: {  	[tilespmem:s31+$0xFFFFFFF0] =	vst v60  }
0x55: {  	[tilespmem:s31+$0x0] =	vst v61  }
0x56: {  	[tilespmem:s31+$0x10] =	vst v62  }
0x57: {  	p2 =	por $0x0, $0x0;
	s19 =	simm.s32 $0x1;
	[tilespmem:s31+$0x20] =	vst v63  }
0x58: {  	s17 =	sshrl.u32 s15, $0x3  }
0x59: {  	s18 =	sshll.u32 s13, $0x3;
	s17 =	smul.u32 $0x1800, s17  }
0x5a: {  	s27 =	sshll.u32 s15, $0x7;
	s18 =	sand.u32 $0xFFFFFC00, s18  }
0x5b: {  	s15 =	sand.u32 $0x380, s27;
	s17 =	sadd.s32 s17, s18  }
0x5c: {  	s28 =	sand.u32 $0x7F, s13;
	s15 =	sor.u32 s15, s17  }
0x5d: {  	s13 =	sor.u32 s28, s15;
	s15 =	smulhi.u32 $0xAAAAAAAB, s15  }
0x5e: {  	s29 =	smulhi.u32 $0xAAAAAAAB, s13  }
0x5f: {  	s14 =	smul.u32 $0xC000, s14  }
0x60: {  	s12 =	smul.u32 $0x300, s12;
	s15 =	sshrl.u32 s15, $0x9;
	s17 =	sshrl.u32 s29, $0x9  }
0x61: {  	s15 =	sand.u32 $0x7, s15;
	s17 =	smul.u32 $0x300, s17  }
0x62: {  	s15 =	smul.u32 $0x60, s15  }
.Ltmp5:
0x63: {  	s14 =	sadd.s32 s3, s14;
	s13 =	ssub.s32 s13, s17;
	(pc) =	sbr.rel .LBB1_7-.Ltmp5, $4  }
0x64: {  	s12 =	sadd.s32 s12, s14;
	s30 =	sand.u32 $0x7, s13  }
0x65: {  	s12 =	sadd.s32 s15, s12;
	s13 =	sshrl.u32 s13, $0x3;
	s14 =	sshll.u32 s30, $0x12  }
0x66: {  	s12 =	sadd.s32 s13, s12;
	s31 =	sor.u32 $0x100, s14  }
0x67: {  	[hbm4b:s12+s31] =	stream.strided.scatter [tilespmem:s16], [sflag:$0x2], $0x4000, s6, s31, $0x38;
	[tilespmem:$0x10000] =	vst v63  }
.LBB1_8:
0x68: {  	_ =	sfence.sel $0x180000  }
0x69: {  	s2 =	simm.s32 $0x1;
	[bflag:$0x0] =	sbarrier.arrive $0xFFFF  }
0x6a: {  	s31 =	simm.s32 $0x2;
	[sflag:s2] =	ssyncpa.u1 $0x1  }
0x6b: {  	[sflag:s31] =	ssyncpa.u1 $0x1  }
0x6c: {  	p0 =	sne.s32 s1, $0x0;
	_ =	strace $0x90000047  }
0x6d: {  	s0 =	sadd.s32 @!p0 $0x100000, s0;
	[bflag:$0x2] =	sbarrier.arrive $0xFFFF  }
0x6e: {  	[sflag:s0] =	ssyncadd.tile.s32 @!p0 $0x1;
	_ =	shalt  }
.Lfunc_end1:
_tile_overlayer_lowered:
.L_overlay_start_2:
0x6f: {  	(tag) =	ssettag $0x2  }
0x70: {  	s0 =	rddreg [dreg:$0x0];
	s2 =	stileid.u32  }
0x71: {  	s1 =	rddreg [dreg:$0x1];
	p0 =	sne.s32 s2, $0x0  }
0x72: {  	s3 =	rddreg [dreg:$0x2];
	[bflag:$0x3] =	sbarrier.arrive $0xFFFF;
	s2 =	simm.s32 @!p0 $0x1C01  }
0x73: {  	[timem:s3], [sflag:s2] =	dma.local @!p0 [hbm:s0], s1  }
0x74: {  	s0 =	simm.s32 @!p0 $0x1  }
0x75: {  	_ =	swait.ge @!p0 [sflag:s0], s1  }
0x76: {  	s1 =	ssub.s32 @!p0 $0x0, s1;
	[sflag:s0] =	ssyncset.done @!p0 $0x0  }
0x77: {  	[sflag:s0] =	ssyncadd.s32 @!p0 s1  }
0x78: {  	[bflag:$0x3] =	sbarrier.arrive $0xFFFF  }
0x79: {  	_ =	shalt  }

// kernel: sparse-core-data-format-call.cloned.1.call-start
scs
called_computation_lowered:
.L_overlay_start_0:
0x0: {  	s2 =	sld [smem:$0x3FD9]  }
0x1: {  	s3 =	sld [smem:$0x3FFE];
	_ =	sdelay $0x1  }
0x2: {  	s1 =	srdreg.scid  }
0x3: {  	s0 =	sand.u32 $0x1, s1  }
0x4: {  	s18 =	sshll.u32 s0, $0xA;
	s2 =	sadd.s32 s3, s2  }
0x5: {  	s2 =	sadd.s32 s2, s18  }
0x6: {  	[smem:$0x3FC5] =	sst s2  }
0x7: {  	_ = 	snop  }
0x8: {  	s2 =	sld [smem:$0x3FD0];
	(tm) =	ssettm $0x1  }
0x9: {  	s19 =	sld [smem:$0x3FFB];
	_ =	sdelay $0x3  }
0xa: {  	_ =	strace s19  }
0xb: {  	s3 =	sld [smem:$0x3FFC];
	_ =	sdelay $0x3  }
0xc: {  	_ =	strace s3  }
0xd: {  	s3 =	sld [smem:$0x3FFD];
	_ =	sdelay $0x3  }
0xe: {  	_ =	strace s3  }
0xf: {  	_ =	strace $0x8FFFFFFF  }
0x10: {  	s20 =	sld [smem:$0x3FDB];
	_ =	sdelay $0x1  }
0x11: {  	s4 =	simm.s32 $_scs_section_size  }
0x12: {  	s5 =	simm.s32 $_size__tile_overlayer_lowered;
	s6 =	simm.s32 $_tile_overlayer_lowered  }
0x13: {  	s23 =	simm.s32 $0x1BFF;
	s22 =	sshll.u32 s6, $0x1;
	s3 =	sadd.s32 s4, s20  }
0x14: {  	s7 =	simm.s32 $0x0;
	s21 =	sshll.u32 s5, $0x1;
	s5 =	sadd.s32 s22, s3  }
0x15: {  	[timem:s7], [sflag:s23] =	dma.local [hbm:s5], s21  }
0x16: {  	_ =	swait.ge [sflag:s23], s21  }
0x17: {  	s4 =	ssub.s32 $0x0, s21;
	[sflag:s23] =	ssyncset.done $0x0  }
0x18: {  	[sflag:s23] =	ssyncadd.s32 s4;
	_ =	sdelay $0x1  }
0x19: {  	s24 =	simm.s32 $0x1B8B  }
0x1a: {  	_ =	swait.ge [sflag:s24], $0x1  }
0x1b: {  	[sflag:s24] =	ssyncset.done $0x0  }
0x1c: {  	s26 =	simm.s32 $0x1B8E;
	s25 =	sld [smem:$0x3FFE];
	[sflag:s24] =	ssyncadd.s32 $0xFFFFFFFF  }
0x1d: {  	s27 =	simm.s32 $execute0_lowered;
	[smem:$0x3FD2] =	sst s26  }
0x1e: {  	s5 =	sshll.u32 s27, $0x1;
	_ =	strace $0x8000004F;
	[dreg:$0x1] =	wrdreg $0xFFFFFFFF  }
0x1f: {  	s28 =	simm.s32 $_size_execute0_lowered;
	s3 =	sadd.s32 s3, s5;
	[dreg:$0x0] =	wrdreg $0x0  }
0x20: {  	s5 =	sshll.u32 s28, $0x1;
	[dreg:$0x2] =	wrdreg s3  }
0x21: {  	[dreg:$0x3] =	wrdreg s5  }
0x22: {  	[dreg:$0x4] =	wrdreg $0xC0  }
0x23: {  	_ =	task [dreg:s7], $0x5FFFF  }
0x24: {  	[dreg:$0x1] =	wrdreg $0xFFFFFFFF  }
0x25: {  	[dreg:$0x0] =	wrdreg $0x60  }
0x26: {  	[dreg:$0x2] =	wrdreg s25  }
0x27: {  	[dreg:$0x3] =	wrdreg s2  }
0x28: {  	[dreg:$0x4] =	wrdreg $0x9  }
0x29: {  	_ =	task.clear_ibuf [dreg:s7], $0x5FFFF;
	_ =	strace $0x9000004F  }
0x2a: {  	s29 =	simm.s32 $0x9;
	_ =	strace $0x80000051  }
0x2b: {  	_ =	swait.ge [sflag:s29], $0x1  }
0x2c: {  	[sflag:s29] =	ssyncadd.s32 $0xFFFFFFFF  }
0x2d: {  	_ =	strace $0x90000051  }
0x2e: {  	_ =	sfence  }
0x2f: {  	s30 =	sld [smem:$0x0];
	_ =	sdelay $0x2  }
0x30: {  	s31 =	sshll.u32 s1, $0xD;
	s1 =	sshrl.u32 s1, $0x2  }
0x31: {  	s3 =	sand.u32 $0x4000, s31;
	s1 =	sadd.s32 s1, s30  }
0x32: {  	s0 =	sor.u32 s3, s0;
	s1 =	sshll.u32 s1, $0x11  }
0x33: {  	s0 =	sor.u32 s1, s0  }
0x34: {  	s0 =	sadd.s32 $0x8F2B, s0  }
0x35: {  	[sflag:s0] =	ssyncadd.remote.s32 $0x1  }
0x36: {  	_ =	sfence.sel $0xFFFF  }
0x37: {  	[dreg:$0x0] =	wrdreg $0xFFFFFFFF;
	(pc) =	sbr.abs _section_cstart, $3  }
0x38: {  	[dreg:$0x1] =	wrdreg $0xFFFFFFFF  }
0x39: {  	_ =	task.clear_ibuf [dreg:s7], $0x2FFFF;
	_ =	strace $0x9FFFFFFF  }
0x3a: {  	(tm) =	ssettm $0x7FFFFFFF  }
0x3b: {  	_ =	shalt  }
tec
execute0_lowered:
.L_overlay_start_1:
0x0: {  	(tag) =	ssettag $0x1  }
0x1: {  	s1 =	rddreg [dreg:$0x0]  }
0x2: {  	s2 =	rddreg [dreg:$0x1]  }
0x3: {  	s0 =	rddreg [dreg:$0x2]  }
0x4: {  	_ =	strace $0x80000050;
	s4 =	srdreg.scid;
	s6 =	simm.s32 $0x2  }
0x5: {  	s13 =	simm.s32 $0x0;
	p0 =	por $0x0, $0x0;
	s12 =	simm.s32 $0x0  }
0x6: {  	s15 =	simm.s32 $0x0;
	s14 =	simm.s32 $0x0;
	s8 =	simm.s32 $0x0  }
.Ltmp0:
0x7: {  	s9 =	simm.s32 $0x0;
	s10 =	simm.s32 $0x0;
	(pc) =	sbr.rel .LBB1_1-.Ltmp0, $4  }
0x8: {  	s7 =	simm.s32 $0x0;
	s3 =	sadd.s32 $0x1400, s1;
	s5 =	sshll.u32 s4, $0x4  }
0x9: {  	s1 =	stileid.u32;
	s4 =	simm.s32 $0x1;
	s5 =	sand.u32 $0x10, s5  }
0xa: {  	s22 =	simm.s32 $0x0;
	[sflag:s4] =	ssyncpa.u1 $0x0;
	s5 =	sor.u32 s1, s5  }
0xb: {  	[sflag:s6] =	ssyncpa.u1 $0x0;
	s6 =	simm.s32 $0xC0000;
	s11 =	smov.u32 s5  }
.LBB1_7:
0xc: {  	s16 =	sadd.s32 $0x80, s8  }
0xd: {  	s12 =	sadd.s32 $0x40, s9;
	s17 =	smov.u32 s9;
	p2 =	sgt.s32 s16, $0x2FF  }
0xe: {  	s17 =	smov.u32 @p2 s12  }
0xf: {  	s18 =	smov.u32 s10;
	s12 =	sadd.s32 $0x2, s10;
	p3 =	sgt.s32 s17, $0x3F  }
0x10: {  	s18 =	smov.u32 @p3 s12  }
0x11: {  	s19 =	smov.u32 s11;
	s12 =	sadd.s32 $0x20, s11;
	p4 =	sgt.s32 s18, $0x1F  }
0x12: {  	p1 =	slt.u32 s7, $0x2;
	s19 =	smov.u32 @p4 s12  }
0x13: {  	s7 =	sadd.s32 $0x1, s7;
	s16 =	simm.s32 @p2 $0x0;
	p2 =	sgt.s32 s19, $0x1F  }
0x14: {  	s13 =	smov.u32 s8;
	s19 =	smov.u32 @p2 s5;
	p2 =	sne.s32 s7, $0x62  }
.Ltmp1:
0x15: {  	s15 =	smov.u32 s10;
	s20 =	simm.s32 @!p1 $0x2;
	(pc) =	sbr.rel @!p2 .LBB1_8-.Ltmp1, $4  }
0x16: {  	s14 =	smov.u32 s11;
	p0 =	por !p0, !p0;
	_ =	swait.ge @!p1 [sflag:s20], $0x4000  }
0x17: {  	[sflag:s20] =	ssyncset.done @!p1 $0x0;
	s8 =	smov.u32 s16;
	s17 =	simm.s32 @p3 $0x0  }
0x18: {  	[sflag:s20] =	ssyncadd.s32 @!p1 $0xFFFFC000;
	s18 =	simm.s32 @p4 $0x0;
	s12 =	smov.u32 s9  }
0x19: {  	s9 =	smov.u32 s17;
	s10 =	smov.u32 s18;
	s11 =	smov.u32 s19  }
.LBB1_1:
0x1a: {  	p1 =	sgt.u32 s7, $0x5F  }
0x1b: {  	s16 =	sshrl.u32 @!p1 s9, $0x3  }
0x1c: {  	s17 =	sshll.u32 @!p1 s8, $0x3;
	s16 =	smul.u32 @!p1 $0x1800, s16  }
0x1d: {  	s18 =	sshll.u32 @!p1 s9, $0x7;
	s17 =	sand.u32 @!p1 $0xFFFFFC00, s17  }
0x1e: {  	s16 =	sadd.s32 @!p1 s16, s17;
	s17 =	sand.u32 @!p1 $0x380, s18  }
0x1f: {  	s18 =	sand.u32 @!p1 $0x7F, s8;
	s16 =	sor.u32 @!p1 s17, s16  }
0x20: {  	s17 =	sor.u32 @!p1 s18, s16  }
0x21: {  	s18 =	smulhi.u32 @!p1 $0xAAAAAAAB, s17  }
0x22: {  	s16 =	smulhi.u32 @!p1 $0xAAAAAAAB, s16  }
0x23: {  	s20 =	smul.u32 @!p1 $0x30000, s11;
	s18 =	sshrl.u32 @!p1 s18, $0x9  }
0x24: {  	s19 =	sxor.u32 @!p1 $0xFFFFFFFF, s7;
	s16 =	sshrl.u32 @!p1 s16, $0x9;
	s18 =	smul.u32 @!p1 $0x300, s18  }
0x25: {  	s21 =	smul.u32 @!p1 $0x1800, s10;
	s19 =	sshll.u32 @!p1 s19, $0xE;
	s16 =	sand.u32 @!p1 $0x3F, s16  }
0x26: {  	s16 =	smul.u32 @!p1 $0x60, s16;
	s17 =	ssub.s32 @!p1 s17, s18;
	s18 =	sadd.s32 @!p1 s3, s20  }
0x27: {  	s19 =	sand.u32 @!p1 $0x4000, s19;
	s18 =	sadd.s32 @!p1 s21, s18;
	s20 =	sand.u32 @!p1 $0x7, s17  }
0x28: {  	s17 =	sshrl.u32 @!p1 s17, $0x3;
	s16 =	sadd.s32 @!p1 s16, s18;
	s18 =	sshll.u32 @!p1 s20, $0x12  }
0x29: {  	s16 =	sadd.s32 @!p1 s17, s16;
	s17 =	sor.u32 @!p1 $0x400, s18;
	s18 =	simm.s32 @!p1 $0x1800  }
0x2a: {  	[tilespmem:s19], [sflag:$0x1] =	stream.strided.gather @!p1 [hbm4b:s16+s17], $0x4000, s18, s17, $0x38;
	[tilespmem:$0x10000] =	vst v63  }
0x2b: {  	p1 =	seq.s32 s7, $0x0  }
0x2c: {  	p2 =	seq.s32 @!p1 s7, $0x61  }
0x2d: {  	p1 =	por p1, p2  }
.Ltmp2:
0x2e: {  	_ = 	snop;
	(pc) =	sbr.rel @p1 .LBB1_7-.Ltmp2, $1  }
0x2f: {  	_ =	sdelay $0x3  }
0x30: {  	s16 =	simm.s32 $0x1;
	_ =	swait.ge [sflag:s4], $0x4000  }
0x31: {  	s17 =	sshll.u32 s7, $0xE;
	s19 =	simm.s32 $0x0;
	s16 =	simm.s32 @!p0 $0x0  }
0x32: {  	p2 =	por $0x1, $0x1;
	[sflag:s4] =	ssyncset.done $0x0;
	s16 =	sshll.u32 s16, $0x10  }
0x33: {  	s17 =	sand.u32 $0x4000, s17;
	[sflag:s4] =	ssyncadd.s32 $0xFFFFC000;
	s18 =	sshrl.u32 s16, $0x2  }
0x34: {  	s16 =	sor.u32 $0x8000, s17;
	s17 =	sadd.s32 $0x8040, s18;
	s18 =	sadd.s32 $0x40, s18  }
.LBB1_3:
0x35: {  	s20 =	sshll.u32 s19, $0xD  }
0x36: {  	s20 =	sand.u32 $0x3FFFE000, s20  }
0x37: {  	s20 =	sadd.s32 s20, s18  }
0x38: {  	v0 =	vmov s20;
	_ =	sdelay $0x4  }
0x39: {  	v6 =	vld.idx.msk [tilespmem:v0+s22+$0x30 ss:$0x1], $0xffff  }
0x3a: {  	v7 =	vld.idx.msk [tilespmem:v0+s22+$0xFFFFFFC0 ss:$0x1], $0xffff  }
0x3b: {  	v1 =	vld.idx.msk [tilespmem:v0+s22+$0xFFFFFFD0 ss:$0x1], $0xffff  }
0x3c: {  	s31 =	sshll.u32 s19, $0x7;
	v2 =	vld.idx.msk [tilespmem:v0+s22+$0xFFFFFFE0 ss:$0x1], $0xffff  }
0x3d: {  	s19 =	sand.u32 $0x3FFFFF80, s31;
	v3 =	vld.idx.msk [tilespmem:v0+s22+$0xFFFFFFF0 ss:$0x1], $0xffff  }
0x3e: {  	s19 =	sadd.s32 s19, s17;
	v4 =	vld.idx.msk [tilespmem:v0+s22+$0x0 ss:$0x1], $0xffff  }
0x3f: {  	v5 =	vld.idx.msk [tilespmem:v0+s22+$0x10 ss:$0x1], $0xffff;
	[tilespmem:s19+$0x30] =	vst v6  }
0x40: {  	p1 =	por p2, p2;
	s21 =	simm.s32 $0x400;
	s20 =	simm.s32 $0x80;
	[tilespmem:s19+$0xFFFFFFC0] =	vst v7;
	v6 =	vld.idx.msk [tilespmem:v0+s22+$0x20 ss:$0x1], $0xffff  }
.LBB1_4:
0x41: {  	p2 =	sne.s32 s21, $0x7E00;
	v7 =	vld.idx.msk [tilespmem:v0+s20+$0x30 ss:$0x1], $0xffff;
	[tilespmem:s19+$0xFFFFFFD0] =	vst v1  }
0x42: {  	v8 =	vld.idx.msk [tilespmem:v0+s20+$0xFFFFFFC0 ss:$0x1], $0xffff;
	[tilespmem:s19+$0xFFFFFFE0] =	vst v2  }
0x43: {  	v1 =	vld.idx.msk [tilespmem:v0+s20+$0xFFFFFFD0 ss:$0x1], $0xffff;
	[tilespmem:s19+$0xFFFFFFF0] =	vst v3  }
.Ltmp3:
0x44: {  	v2 =	vld.idx.msk [tilespmem:v0+s20+$0xFFFFFFE0 ss:$0x1], $0xffff;
	[tilespmem:s19+$0x0] =	vst v4;
	(pc) =	sbr.rel @p2 .LBB1_4-.Ltmp3, $4  }
0x45: {  	v3 =	vld.idx.msk [tilespmem:v0+s20+$0xFFFFFFF0 ss:$0x1], $0xffff;
	[tilespmem:s19+$0x10] =	vst v5  }
0x46: {  	v4 =	vld.idx.msk [tilespmem:v0+s20+$0x0 ss:$0x1], $0xffff;
	[tilespmem:s19+$0x20] =	vst v6;
	s19 =	sadd.s32 $0x100, s19  }
0x47: {  	v5 =	vld.idx.msk [tilespmem:v0+s20+$0x10 ss:$0x1], $0xffff;
	[tilespmem:s19+$0x30] =	vst v7  }
0x48: {  	[tilespmem:s19+$0xFFFFFFC0] =	vst v8;
	v6 =	vld.idx.msk [tilespmem:v0+s20+$0x20 ss:$0x1], $0xffff;
	s20 =	sshra.s32 s21, $0x2;
	s21 =	sadd.s32 $0x200, s21  }
0x49: {  	_ =	sdelay $0x2  }
0x4a: {  	[tilespmem:s19+$0xFFFFFFD0] =	vst v1  }
0x4b: {  	v56 =	vld.idx.msk [tilespmem:v0+s20+$0x30 ss:$0x1], $0xffff;
	[tilespmem:s19+$0xFFFFFFE0] =	vst v2  }
0x4c: {  	v57 =	vld.idx.msk [tilespmem:v0+s20+$0xFFFFFFC0 ss:$0x1], $0xffff;
	[tilespmem:s19+$0xFFFFFFF0] =	vst v3  }
0x4d: {  	v58 =	vld.idx.msk [tilespmem:v0+s20+$0xFFFFFFD0 ss:$0x1], $0xffff;
	[tilespmem:s19+$0x0] =	vst v4  }
0x4e: {  	v59 =	vld.idx.msk [tilespmem:v0+s20+$0xFFFFFFE0 ss:$0x1], $0xffff;
	[tilespmem:s19+$0x10] =	vst v5  }
0x4f: {  	v60 =	vld.idx.msk [tilespmem:v0+s20+$0xFFFFFFF0 ss:$0x1], $0xffff;
	s31 =	sadd.s32 $0x100, s19;
	[tilespmem:s19+$0x20] =	vst v6  }
0x50: {  	v61 =	vld.idx.msk [tilespmem:v0+s20+$0x0 ss:$0x1], $0xffff;
	[tilespmem:s31+$0x30] =	vst v56  }
0x51: {  	v62 =	vld.idx.msk [tilespmem:v0+s20+$0x10 ss:$0x1], $0xffff;
	[tilespmem:s31+$0xFFFFFFC0] =	vst v57  }
0x52: {  	v63 =	vld.idx.msk [tilespmem:v0+s20+$0x20 ss:$0x1], $0xffff;
	[tilespmem:s31+$0xFFFFFFD0] =	vst v58  }
.Ltmp4:
0x53: {  	[tilespmem:s31+$0xFFFFFFE0] =	vst v59;
	(pc) =	sbr.rel @p1 .LBB1_3-.Ltmp4, $4  }
0x54: {  	[tilespmem:s31+$0xFFFFFFF0] =	vst v60  }
0x55: {  	[tilespmem:s31+$0x0] =	vst v61  }
0x56: {  	[tilespmem:s31+$0x10] =	vst v62  }
0x57: {  	p2 =	por $0x0, $0x0;
	s19 =	simm.s32 $0x1;
	[tilespmem:s31+$0x20] =	vst v63  }
0x58: {  	s17 =	sshrl.u32 s15, $0x3  }
0x59: {  	s18 =	sshll.u32 s13, $0x3;
	s17 =	smul.u32 $0x1800, s17  }
0x5a: {  	s27 =	sshll.u32 s15, $0x7;
	s18 =	sand.u32 $0xFFFFFC00, s18  }
0x5b: {  	s15 =	sand.u32 $0x380, s27;
	s17 =	sadd.s32 s17, s18  }
0x5c: {  	s28 =	sand.u32 $0x7F, s13;
	s15 =	sor.u32 s15, s17  }
0x5d: {  	s13 =	sor.u32 s28, s15;
	s15 =	smulhi.u32 $0xAAAAAAAB, s15  }
0x5e: {  	s29 =	smulhi.u32 $0xAAAAAAAB, s13  }
0x5f: {  	s14 =	smul.u32 $0xC00, s14  }
0x60: {  	s12 =	smul.u32 $0x18000, s12;
	s15 =	sshrl.u32 s15, $0x9;
	s17 =	sshrl.u32 s29, $0x9  }
0x61: {  	s15 =	sand.u32 $0x1F, s15;
	s17 =	smul.u32 $0x300, s17  }
0x62: {  	s15 =	smul.u32 $0x60, s15  }
.Ltmp5:
0x63: {  	s14 =	sadd.s32 s2, s14;
	s13 =	ssub.s32 s13, s17;
	(pc) =	sbr.rel .LBB1_7-.Ltmp5, $4  }
0x64: {  	s12 =	sadd.s32 s12, s14;
	s30 =	sand.u32 $0x7, s13  }
0x65: {  	s12 =	sadd.s32 s15, s12;
	s13 =	sshrl.u32 s13, $0x3;
	s14 =	sshll.u32 s30, $0x12  }
0x66: {  	s12 =	sadd.s32 s13, s12;
	s31 =	sor.u32 $0x100, s14  }
0x67: {  	[hbm4b:s12+s31] =	stream.strided.scatter [tilespmem:s16], [sflag:$0x2], $0x4000, s6, s31, $0x38;
	[tilespmem:$0x10000] =	vst v63  }
.LBB1_8:
0x68: {  	_ =	sfence.sel $0x180000  }
0x69: {  	s2 =	simm.s32 $0x1;
	[bflag:$0x0] =	sbarrier.arrive $0xFFFF  }
0x6a: {  	s31 =	simm.s32 $0x2;
	[sflag:s2] =	ssyncpa.u1 $0x1  }
0x6b: {  	[sflag:s31] =	ssyncpa.u1 $0x1  }
0x6c: {  	p0 =	sne.s32 s1, $0x0;
	_ =	strace $0x90000050  }
0x6d: {  	s0 =	sadd.s32 @!p0 $0x100000, s0;
	[bflag:$0x2] =	sbarrier.arrive $0xFFFF  }
0x6e: {  	[sflag:s0] =	ssyncadd.tile.s32 @!p0 $0x1;
	_ =	shalt  }
.Lfunc_end1:
_tile_overlayer_lowered:
.L_overlay_start_2:
0x6f: {  	(tag) =	ssettag $0x2  }
0x70: {  	s0 =	rddreg [dreg:$0x0];
	s2 =	stileid.u32  }
0x71: {  	s1 =	rddreg [dreg:$0x1];
	p0 =	sne.s32 s2, $0x0  }
0x72: {  	s3 =	rddreg [dreg:$0x2];
	[bflag:$0x3] =	sbarrier.arrive $0xFFFF;
	s2 =	simm.s32 @!p0 $0x1C01  }
0x73: {  	[timem:s3], [sflag:s2] =	dma.local @!p0 [hbm:s0], s1  }
0x74: {  	s0 =	simm.s32 @!p0 $0x1  }
0x75: {  	_ =	swait.ge @!p0 [sflag:s0], s1  }
0x76: {  	s1 =	ssub.s32 @!p0 $0x0, s1;
	[sflag:s0] =	ssyncset.done @!p0 $0x0  }
0x77: {  	[sflag:s0] =	ssyncadd.s32 @!p0 s1  }
0x78: {  	[bflag:$0x3] =	sbarrier.arrive $0xFFFF  }
0x79: {  	_ =	shalt  }

</sc_bundles>
